<compile_context>
chip_gen: v7x
topology: tpu7x:2x2x1
jax: 0.10.2.dev20260603
libtpu: 0.0.44.dev20260713+nightly
codegen_flags: <defaults>
</compile_context>

<pallas_src>
import functools

import jax
import jax.numpy as jnp
from jax import lax
from jax.experimental import pallas as pl
from jax.experimental.pallas import tpu as pltpu
from jax.experimental.pallas import tpu_sc as plsc

_K = 512
_N = 2 * 576 * 96
_NC = 2
_NS = 16
_NW = _NC * _NS
_PER = _N // _NW
_L = 16
_R = _K * _L


def _prep_body(er_ref, ec_ref, svr_ref, mir_ref):
    a = jnp.broadcast_to(er_ref[...], (_K, _K))
    b = jnp.broadcast_to(ec_ref[...], (_K, _K))
    ii = lax.broadcasted_iota(jnp.int32, (_K, _K), 0)
    kk = lax.broadcasted_iota(jnp.int32, (_K, _K), 1)
    before = (b < a) | ((b == a) & (ii < kk))
    bsum_row = jnp.sum(before.astype(jnp.int32), axis=0, keepdims=True)
    bsum_col = jnp.sum(before.astype(jnp.int32), axis=1, keepdims=True)
    rank_row = bsum_row
    rank_col = (_K - 1) - bsum_col
    eqm = a == b
    macc_col = jnp.max(jnp.where(eqm, kk, -1), axis=1, keepdims=True)
    i64 = lax.broadcasted_iota(jnp.int32, (64, _K), 0)
    r1 = (i64 == jnp.broadcast_to(rank_row // 8, (64, _K))).astype(jnp.float32)
    i8 = lax.broadcasted_iota(jnp.int32, (_K, 8), 1)
    sel = i8 == jnp.broadcast_to(rank_col % 8, (_K, 8))
    r2v = jnp.where(sel, jnp.broadcast_to(ec_ref[...], (_K, 8)), 0.0)
    r2m = jnp.where(sel, jnp.broadcast_to(macc_col.astype(jnp.float32), (_K, 8)), 0.0)
    v = jnp.dot(r1, r2v, preferred_element_type=jnp.float32)
    vm = jnp.dot(r1, r2m, preferred_element_type=jnp.float32)
    g16 = lax.broadcasted_iota(jnp.int32, (8, 128), 1) // _L
    g8 = lax.broadcasted_iota(jnp.int32, (8, 128), 0)
    g = (g16 == g8).astype(jnp.float32)
    svr_ref[...] = jnp.dot(v, g, preferred_element_type=jnp.float32)
    mir_ref[...] = jnp.dot(vm, g, preferred_element_type=jnp.float32)


_prep = pl.pallas_call(
    _prep_body,
    out_shape=(
        jax.ShapeDtypeStruct((64, 128), jnp.float32),
        jax.ShapeDtypeStruct((64, 128), jnp.float32),
    ),
)


def _search_body(h_hbm, svr_hbm, mir_hbm, out_hbm, x_v, o_v, svr_v, mir_v):
    wid = lax.axis_index("s") * _NC + lax.axis_index("c")
    base = wid * _PER
    pltpu.sync_copy(svr_hbm, svr_v)
    pltpu.sync_copy(mir_hbm, mir_v)
    pltpu.sync_copy(h_hbm.at[pl.ds(base, _PER)], x_v)
    lane = lax.iota(jnp.int32, _L)

    @plsc.parallel_loop(0, _PER // _L, unroll=24)
    def body(i):
        x = x_v[pl.ds(i * _L, _L)]
        j16 = jnp.zeros((_L,), jnp.int32)
        step16 = (_K // 2) * _L
        while step16 >= _L:
            v = plsc.load_gather(svr_v, [j16 + (lane + (step16 - _L))])
            j16 = jnp.where(v < x, j16 + step16, j16)
            step16 //= 2
        lovec = jnp.maximum(j16 - _L, 0) + lane
        hivec = j16 + lane
        vlo = plsc.load_gather(svr_v, [lovec])
        vhi = plsc.load_gather(svr_v, [hivec])
        milo = plsc.load_gather(mir_v, [lovec])
        mihi = plsc.load_gather(mir_v, [hivec])
        dlo = jnp.abs(x - vlo)
        dhi = jnp.abs(vhi - x)
        pick_hi = (dhi < dlo) | ((dhi == dlo) & (mihi > milo))
        o_v[pl.ds(i * _L, _L)] = jnp.where(pick_hi, vhi, vlo)

    pltpu.sync_copy(o_v, out_hbm.at[pl.ds(base, _PER)])


@functools.cache
def _make_search():
    mesh = plsc.VectorSubcoreMesh(
        core_axis_name="c", subcore_axis_name="s", num_cores=_NC, num_subcores=_NS
    )
    return pl.kernel(
        _search_body,
        out_type=jax.ShapeDtypeStruct((_N,), jnp.float32),
        mesh=mesh,
        scratch_types=[
            pltpu.VMEM((_PER,), jnp.float32),
            pltpu.VMEM((_PER,), jnp.float32),
            pltpu.VMEM((_R,), jnp.float32),
            pltpu.VMEM((_R,), jnp.float32),
        ],
        compiler_params=pltpu.CompilerParams(needs_layout_passes=False),
    )


def kernel(h, embeddings):
    svr, mir = _prep(embeddings.reshape(1, _K), embeddings.reshape(_K, 1))
    q = _make_search()(h.reshape(_N), svr.reshape(_R), mir.reshape(_R))
    return q.reshape(h.shape)

# --- scband reference (transcript-rebuilt; emitter-appended) ---
"""Pipeline reference for scband-quantizer-60206851555633 (READ-ONLY COPY).

The authoritative reference and input builder live on the scoring server;
editing this copy changes nothing except your own understanding.
"""

import jax, jax.numpy as jnp
import numpy as np

CODEBOOK = 512

def setup_inputs(seed: int = 0) -> dict:
    key = jax.random.key(seed)
    k1, k2 = jax.random.split(key)
    h = jax.random.normal(k1, (2, 576, 96), dtype=jnp.float32)
    # nn.Embedding(codebook, 1) weight, default init N(0,1)
    embeddings = jax.random.normal(k2, (CODEBOOK, 1), dtype=jnp.float32)
    return {"h": h, "embeddings": embeddings}

def reference(h, embeddings):
    # Faithful vectorization of the original per-scalar loop:
    # for each scalar i in h.flatten(), scan all codebook entries e and keep
    # the one with |e - i| <= curr (ties broken toward the LAST matching entry,
    # because the loop uses <=). Output is e (scalar), reshaped to h.shape.
    shape = h.shape
    flat = h.reshape(-1)                      # [N]
    e = embeddings.reshape(-1)                # [K]
    dist = jnp.abs(flat[:, None] - e[None, :])  # [N, K]
    K = e.shape[0]
    # torch loop with <= keeps the last index achieving the minimum;
    # emulate by argmin over the reversed axis.
    idx = (K - 1) - jnp.argmin(dist[:, ::-1], axis=1)  # [N]
    q = jnp.take(e, idx, axis=0)              # gather nearest codebook scalars
    return q.reshape(shape)

if __name__ == "__main__":
    import jax
    _d = setup_inputs()
    print(jax.jit(kernel)(*tuple(_d.values())))

</pallas_src>

<mosaic_0001>
#map = affine_map<(d0, d1) -> (0)>
module attributes {stable_mosaic.version = 14 : i64} {
  func.func @_search_body(%arg0: i32, %arg1: i32, %arg2: memref<110592xf32, #tpu.memory_space<hbm>>, %arg3: memref<8192xf32, #tpu.memory_space<hbm>>, %arg4: memref<8192xf32, #tpu.memory_space<hbm>>, %arg5: memref<110592xf32, #tpu.memory_space<hbm>>, %arg6: memref<3456xf32, #tpu.memory_space<vmem>>, %arg7: memref<3456xf32, #tpu.memory_space<vmem>>, %arg8: memref<8192xf32, #tpu.memory_space<vmem>>, %arg9: memref<8192xf32, #tpu.memory_space<vmem>>) attributes {dimension_semantics = [#tpu.dimension_semantics<core_parallel>, #tpu.dimension_semantics<subcore_parallel>], iteration_bounds = array<i64: 2, 16>, scalar_prefetch = 0 : i64, scratch_operands = 4 : i64, tpu.core_type = #tpu.core_type<sc_vector_subcore>, window_params = [{transform_indices = #map}, {transform_indices = #map}, {transform_indices = #map}, {transform_indices = #map}]} {
    %mul3A = arith.constant 2 : i32
    %mul3A_0 = arith.muli %arg1, %mul3A : i32
    %add3A = arith.addi %mul3A_0, %arg0 : i32
    %mul3A_1 = arith.constant 3456 : i32
    %mul3A_2 = arith.muli %add3A, %mul3A_1 : i32
    "tpu.region"() ({
      %run_scoped3A = tpu.sem_alloc : memref<!tpu.dma_semaphore, #tpu.memory_space<semaphore_mem>>
      tpu.enqueue_dma source(%arg3 : memref<8192xf32, #tpu.memory_space<hbm>>) target(%arg8 : memref<8192xf32, #tpu.memory_space<vmem>>) target_semaphore(%run_scoped3A : memref<!tpu.dma_semaphore, #tpu.memory_space<semaphore_mem>>)
      tpu.wait_dma2 semaphore(%run_scoped3A : memref<!tpu.dma_semaphore, #tpu.memory_space<semaphore_mem>>) src(%arg3 : memref<8192xf32, #tpu.memory_space<hbm>>) dst(%arg8 : memref<8192xf32, #tpu.memory_space<vmem>>)
      tpu.yield
    }) : () -> ()
    "tpu.region"() ({
      %run_scoped3A = tpu.sem_alloc : memref<!tpu.dma_semaphore, #tpu.memory_space<semaphore_mem>>
      tpu.enqueue_dma source(%arg4 : memref<8192xf32, #tpu.memory_space<hbm>>) target(%arg9 : memref<8192xf32, #tpu.memory_space<vmem>>) target_semaphore(%run_scoped3A : memref<!tpu.dma_semaphore, #tpu.memory_space<semaphore_mem>>)
      tpu.wait_dma2 semaphore(%run_scoped3A : memref<!tpu.dma_semaphore, #tpu.memory_space<semaphore_mem>>) src(%arg4 : memref<8192xf32, #tpu.memory_space<hbm>>) dst(%arg9 : memref<8192xf32, #tpu.memory_space<vmem>>)
      tpu.yield
    }) : () -> ()
    "tpu.region"() ({
      %run_scoped3A = tpu.sem_alloc : memref<!tpu.dma_semaphore, #tpu.memory_space<semaphore_mem>>
      %dma_start3A = tpu.memref_slice %arg2[%mul3A_2] : memref<110592xf32, #tpu.memory_space<hbm>> -> memref<3456xf32, #tpu.memory_space<hbm>>
      %dma_start3A_5 = tpu.memref_slice %arg2[%mul3A_2] : memref<110592xf32, #tpu.memory_space<hbm>> -> memref<3456xf32, #tpu.memory_space<hbm>>
      tpu.enqueue_dma source(%dma_start3A_5 : memref<3456xf32, #tpu.memory_space<hbm>>) target(%arg6 : memref<3456xf32, #tpu.memory_space<vmem>>) target_semaphore(%run_scoped3A : memref<!tpu.dma_semaphore, #tpu.memory_space<semaphore_mem>>)
      %dma_wait3A = tpu.memref_slice %arg2[%mul3A_2] : memref<110592xf32, #tpu.memory_space<hbm>> -> memref<3456xf32, #tpu.memory_space<hbm>>
      %dma_wait3A_6 = tpu.memref_slice %arg2[%mul3A_2] : memref<110592xf32, #tpu.memory_space<hbm>> -> memref<3456xf32, #tpu.memory_space<hbm>>
      tpu.wait_dma2 semaphore(%run_scoped3A : memref<!tpu.dma_semaphore, #tpu.memory_space<semaphore_mem>>) src(%dma_wait3A_6 : memref<3456xf32, #tpu.memory_space<hbm>>) dst(%arg6 : memref<3456xf32, #tpu.memory_space<vmem>>)
      tpu.yield
    }) : () -> ()
    %iota3A = tpu.iota {dimensions = array<i32: 0>} : vector<16xi32>
    %parallel_loop3A = arith.constant 0 : i32
    %parallel_loop3A_3 = arith.constant 216 : i32
    %parallel_loop3A_4 = arith.constant 1 : i32
    scf.for %parallel_loop3A_5 = %parallel_loop3A to %parallel_loop3A_3 step %parallel_loop3A_4  : i32 {
      %parallel_loop3A_6 = arith.constant 16 : i32
      %parallel_loop3A_7 = arith.muli %parallel_loop3A_5, %parallel_loop3A_6 : i32
      %parallel_loop3A_8 = arith.index_cast %parallel_loop3A_7 : i32 to index
      %parallel_loop3A_9 = tpu.vector_load %arg6[%parallel_loop3A_8] {strides = array<i32>} : memref<3456xf32, #tpu.memory_space<vmem>>, vector<16xf32>,
      %parallel_loop3A_10 = arith.constant 0 : i32
      %parallel_loop3A_11 = vector.broadcast %parallel_loop3A_10 : i32 to vector<16xi32>
      %parallel_loop3A_12 = arith.constant 4080 : i32
      %parallel_loop3A_13 = vector.broadcast %parallel_loop3A_12 : i32 to vector<16xi32>
      %parallel_loop3A_14 = arith.addi %iota3A, %parallel_loop3A_13 : vector<16xi32>
      %parallel_loop3A_15 = arith.addi %parallel_loop3A_11, %parallel_loop3A_14 : vector<16xi32>
      %parallel_loop3A_16 = tpu.vector_load_idx %arg8[%parallel_loop3A_15] : memref<8192xf32, #tpu.memory_space<vmem>>[vector<16xi32>], vector<16xf32>,
      %parallel_loop3A_17 = arith.cmpf olt, %parallel_loop3A_16, %parallel_loop3A_9 : vector<16xf32>
      %parallel_loop3A_18 = arith.constant 4096 : i32
      %parallel_loop3A_19 = vector.broadcast %parallel_loop3A_18 : i32 to vector<16xi32>
      %parallel_loop3A_20 = arith.addi %parallel_loop3A_11, %parallel_loop3A_19 : vector<16xi32>
      %parallel_loop3A_21 = arith.select %parallel_loop3A_17, %parallel_loop3A_20, %parallel_loop3A_11 : vector<16xi1>, vector<16xi32>
      %parallel_loop3A_22 = arith.constant 2032 : i32
      %parallel_loop3A_23 = vector.broadcast %parallel_loop3A_22 : i32 to vector<16xi32>
      %parallel_loop3A_24 = arith.addi %iota3A, %parallel_loop3A_23 : vector<16xi32>
      %parallel_loop3A_25 = arith.addi %parallel_loop3A_21, %parallel_loop3A_24 : vector<16xi32>
      %parallel_loop3A_26 = tpu.vector_load_idx %arg8[%parallel_loop3A_25] : memref<8192xf32, #tpu.memory_space<vmem>>[vector<16xi32>], vector<16xf32>,
      %parallel_loop3A_27 = arith.cmpf olt, %parallel_loop3A_26, %parallel_loop3A_9 : vector<16xf32>
      %parallel_loop3A_28 = arith.constant 2048 : i32
      %parallel_loop3A_29 = vector.broadcast %parallel_loop3A_28 : i32 to vector<16xi32>
      %parallel_loop3A_30 = arith.addi %parallel_loop3A_21, %parallel_loop3A_29 : vector<16xi32>
      %parallel_loop3A_31 = arith.select %parallel_loop3A_27, %parallel_loop3A_30, %parallel_loop3A_21 : vector<16xi1>, vector<16xi32>
      %parallel_loop3A_32 = arith.constant 1008 : i32
      %parallel_loop3A_33 = vector.broadcast %parallel_loop3A_32 : i32 to vector<16xi32>
      %parallel_loop3A_34 = arith.addi %iota3A, %parallel_loop3A_33 : vector<16xi32>
      %parallel_loop3A_35 = arith.addi %parallel_loop3A_31, %parallel_loop3A_34 : vector<16xi32>
      %parallel_loop3A_36 = tpu.vector_load_idx %arg8[%parallel_loop3A_35] : memref<8192xf32, #tpu.memory_space<vmem>>[vector<16xi32>], vector<16xf32>,
      %parallel_loop3A_37 = arith.cmpf olt, %parallel_loop3A_36, %parallel_loop3A_9 : vector<16xf32>
      %parallel_loop3A_38 = arith.constant 1024 : i32
      %parallel_loop3A_39 = vector.broadcast %parallel_loop3A_38 : i32 to vector<16xi32>
      %parallel_loop3A_40 = arith.addi %parallel_loop3A_31, %parallel_loop3A_39 : vector<16xi32>
      %parallel_loop3A_41 = arith.select %parallel_loop3A_37, %parallel_loop3A_40, %parallel_loop3A_31 : vector<16xi1>, vector<16xi32>
      %parallel_loop3A_42 = arith.constant 496 : i32
      %parallel_loop3A_43 = vector.broadcast %parallel_loop3A_42 : i32 to vector<16xi32>
      %parallel_loop3A_44 = arith.addi %iota3A, %parallel_loop3A_43 : vector<16xi32>
      %parallel_loop3A_45 = arith.addi %parallel_loop3A_41, %parallel_loop3A_44 : vector<16xi32>
      %parallel_loop3A_46 = tpu.vector_load_idx %arg8[%parallel_loop3A_45] : memref<8192xf32, #tpu.memory_space<vmem>>[vector<16xi32>], vector<16xf32>,
      %parallel_loop3A_47 = arith.cmpf olt, %parallel_loop3A_46, %parallel_loop3A_9 : vector<16xf32>
      %parallel_loop3A_48 = arith.constant 512 : i32
      %parallel_loop3A_49 = vector.broadcast %parallel_loop3A_48 : i32 to vector<16xi32>
      %parallel_loop3A_50 = arith.addi %parallel_loop3A_41, %parallel_loop3A_49 : vector<16xi32>
      %parallel_loop3A_51 = arith.select %parallel_loop3A_47, %parallel_loop3A_50, %parallel_loop3A_41 : vector<16xi1>, vector<16xi32>
      %parallel_loop3A_52 = arith.constant 240 : i32
      %parallel_loop3A_53 = vector.broadcast %parallel_loop3A_52 : i32 to vector<16xi32>
      %parallel_loop3A_54 = arith.addi %iota3A, %parallel_loop3A_53 : vector<16xi32>
      %parallel_loop3A_55 = arith.addi %parallel_loop3A_51, %parallel_loop3A_54 : vector<16xi32>
      %parallel_loop3A_56 = tpu.vector_load_idx %arg8[%parallel_loop3A_55] : memref<8192xf32, #tpu.memory_space<vmem>>[vector<16xi32>], vector<16xf32>,
      %parallel_loop3A_57 = arith.cmpf olt, %parallel_loop3A_56, %parallel_loop3A_9 : vector<16xf32>
      %parallel_loop3A_58 = arith.constant 256 : i32
      %parallel_loop3A_59 = vector.broadcast %parallel_loop3A_58 : i32 to vector<16xi32>
      %parallel_loop3A_60 = arith.addi %parallel_loop3A_51, %parallel_loop3A_59 : vector<16xi32>
      %parallel_loop3A_61 = arith.select %parallel_loop3A_57, %parallel_loop3A_60, %parallel_loop3A_51 : vector<16xi1>, vector<16xi32>
      %parallel_loop3A_62 = arith.constant 112 : i32
      %parallel_loop3A_63 = vector.broadcast %parallel_loop3A_62 : i32 to vector<16xi32>
      %parallel_loop3A_64 = arith.addi %iota3A, %parallel_loop3A_63 : vector<16xi32>
      %parallel_loop3A_65 = arith.addi %parallel_loop3A_61, %parallel_loop3A_64 : vector<16xi32>
      %parallel_loop3A_66 = tpu.vector_load_idx %arg8[%parallel_loop3A_65] : memref<8192xf32, #tpu.memory_space<vmem>>[vector<16xi32>], vector<16xf32>,
      %parallel_loop3A_67 = arith.cmpf olt, %parallel_loop3A_66, %parallel_loop3A_9 : vector<16xf32>
      %parallel_loop3A_68 = arith.constant 128 : i32
      %parallel_loop3A_69 = vector.broadcast %parallel_loop3A_68 : i32 to vector<16xi32>
      %parallel_loop3A_70 = arith.addi %parallel_loop3A_61, %parallel_loop3A_69 : vector<16xi32>
      %parallel_loop3A_71 = arith.select %parallel_loop3A_67, %parallel_loop3A_70, %parallel_loop3A_61 : vector<16xi1>, vector<16xi32>
      %parallel_loop3A_72 = arith.constant 48 : i32
      %parallel_loop3A_73 = vector.broadcast %parallel_loop3A_72 : i32 to vector<16xi32>
      %parallel_loop3A_74 = arith.addi %iota3A, %parallel_loop3A_73 : vector<16xi32>
      %parallel_loop3A_75 = arith.addi %parallel_loop3A_71, %parallel_loop3A_74 : vector<16xi32>
      %parallel_loop3A_76 = tpu.vector_load_idx %arg8[%parallel_loop3A_75] : memref<8192xf32, #tpu.memory_space<vmem>>[vector<16xi32>], vector<16xf32>,
      %parallel_loop3A_77 = arith.cmpf olt, %parallel_loop3A_76, %parallel_loop3A_9 : vector<16xf32>
      %parallel_loop3A_78 = arith.constant 64 : i32
      %parallel_loop3A_79 = vector.broadcast %parallel_loop3A_78 : i32 to vector<16xi32>
      %parallel_loop3A_80 = arith.addi %parallel_loop3A_71, %parallel_loop3A_79 : vector<16xi32>
      %parallel_loop3A_81 = arith.select %parallel_loop3A_77, %parallel_loop3A_80, %parallel_loop3A_71 : vector<16xi1>, vector<16xi32>
      %parallel_loop3A_82 = arith.constant 16 : i32
      %parallel_loop3A_83 = vector.broadcast %parallel_loop3A_82 : i32 to vector<16xi32>
      %parallel_loop3A_84 = arith.addi %iota3A, %parallel_loop3A_83 : vector<16xi32>
      %parallel_loop3A_85 = arith.addi %parallel_loop3A_81, %parallel_loop3A_84 : vector<16xi32>
      %parallel_loop3A_86 = tpu.vector_load_idx %arg8[%parallel_loop3A_85] : memref<8192xf32, #tpu.memory_space<vmem>>[vector<16xi32>], vector<16xf32>,
      %parallel_loop3A_87 = arith.cmpf olt, %parallel_loop3A_86, %parallel_loop3A_9 : vector<16xf32>
      %parallel_loop3A_88 = arith.constant 32 : i32
      %parallel_loop3A_89 = vector.broadcast %parallel_loop3A_88 : i32 to vector<16xi32>
      %parallel_loop3A_90 = arith.addi %parallel_loop3A_81, %parallel_loop3A_89 : vector<16xi32>
      %parallel_loop3A_91 = arith.select %parallel_loop3A_87, %parallel_loop3A_90, %parallel_loop3A_81 : vector<16xi1>, vector<16xi32>
      %parallel_loop3A_92 = arith.constant 0 : i32
      %parallel_loop3A_93 = vector.broadcast %parallel_loop3A_92 : i32 to vector<16xi32>
      %parallel_loop3A_94 = arith.addi %iota3A, %parallel_loop3A_93 : vector<16xi32>
      %parallel_loop3A_95 = arith.addi %parallel_loop3A_91, %parallel_loop3A_94 : vector<16xi32>
      %parallel_loop3A_96 = tpu.vector_load_idx %arg8[%parallel_loop3A_95] : memref<8192xf32, #tpu.memory_space<vmem>>[vector<16xi32>], vector<16xf32>,
      %parallel_loop3A_97 = arith.cmpf olt, %parallel_loop3A_96, %parallel_loop3A_9 : vector<16xf32>
      %parallel_loop3A_98 = arith.constant 16 : i32
      %parallel_loop3A_99 = vector.broadcast %parallel_loop3A_98 : i32 to vector<16xi32>
      %parallel_loop3A_100 = arith.addi %parallel_loop3A_91, %parallel_loop3A_99 : vector<16xi32>
      %parallel_loop3A_101 = arith.select %parallel_loop3A_97, %parallel_loop3A_100, %parallel_loop3A_91 : vector<16xi1>, vector<16xi32>
      %parallel_loop3A_102 = arith.constant 16 : i32
      %parallel_loop3A_103 = vector.broadcast %parallel_loop3A_102 : i32 to vector<16xi32>
      %parallel_loop3A_104 = arith.subi %parallel_loop3A_101, %parallel_loop3A_103 : vector<16xi32>
      %parallel_loop3A_105 = arith.constant 0 : i32
      %parallel_loop3A_106 = vector.broadcast %parallel_loop3A_105 : i32 to vector<16xi32>
      %parallel_loop3A_107 = arith.maxsi %parallel_loop3A_104, %parallel_loop3A_106 : vector<16xi32>
      %parallel_loop3A_108 = arith.addi %parallel_loop3A_107, %iota3A : vector<16xi32>
      %parallel_loop3A_109 = arith.addi %parallel_loop3A_101, %iota3A : vector<16xi32>
      %parallel_loop3A_110 = tpu.vector_load_idx %arg8[%parallel_loop3A_108] : memref<8192xf32, #tpu.memory_space<vmem>>[vector<16xi32>], vector<16xf32>,
      %parallel_loop3A_111 = tpu.vector_load_idx %arg8[%parallel_loop3A_109] : memref<8192xf32, #tpu.memory_space<vmem>>[vector<16xi32>], vector<16xf32>,
      %parallel_loop3A_112 = tpu.vector_load_idx %arg9[%parallel_loop3A_108] : memref<8192xf32, #tpu.memory_space<vmem>>[vector<16xi32>], vector<16xf32>,
      %parallel_loop3A_113 = tpu.vector_load_idx %arg9[%parallel_loop3A_109] : memref<8192xf32, #tpu.memory_space<vmem>>[vector<16xi32>], vector<16xf32>,
      %parallel_loop3A_114 = arith.subf %parallel_loop3A_9, %parallel_loop3A_110 : vector<16xf32>
      %parallel_loop3A_115 = math.absf %parallel_loop3A_114 : vector<16xf32>
      %parallel_loop3A_116 = arith.subf %parallel_loop3A_111, %parallel_loop3A_9 : vector<16xf32>
      %parallel_loop3A_117 = math.absf %parallel_loop3A_116 : vector<16xf32>
      %parallel_loop3A_118 = arith.cmpf olt, %parallel_loop3A_117, %parallel_loop3A_115 : vector<16xf32>
      %parallel_loop3A_119 = arith.cmpf oeq, %parallel_loop3A_117, %parallel_loop3A_115 : vector<16xf32>
      %parallel_loop3A_120 = arith.cmpf ogt, %parallel_loop3A_113, %parallel_loop3A_112 : vector<16xf32>
      %parallel_loop3A_121 = arith.andi %parallel_loop3A_119, %parallel_loop3A_120 : vector<16xi1>
      %parallel_loop3A_122 = arith.ori %parallel_loop3A_118, %parallel_loop3A_121 : vector<16xi1>
      %parallel_loop3A_123 = arith.select %parallel_loop3A_122, %parallel_loop3A_111, %parallel_loop3A_110 : vector<16xi1>, vector<16xf32>
      %parallel_loop3A_124 = arith.constant 16 : i32
      %parallel_loop3A_125 = arith.muli %parallel_loop3A_5, %parallel_loop3A_124 : i32
      %parallel_loop3A_126 = arith.index_cast %parallel_loop3A_125 : i32 to index
      %parallel_loop3A_127 = tpu.vector_load %arg7[%parallel_loop3A_126] {strides = array<i32>} : memref<3456xf32, #tpu.memory_space<vmem>>, vector<16xf32>,
      tpu.vector_store %arg7[%parallel_loop3A_126], %parallel_loop3A_123 {strides = array<i32>} : memref<3456xf32, #tpu.memory_space<vmem>>, vector<16xf32>,
    } {sc.loop_unroll_factor = 24 : i64, sc.parallel_access}
    "tpu.region"() ({
      %run_scoped3A = tpu.sem_alloc : memref<!tpu.dma_semaphore, #tpu.memory_space<semaphore_mem>>
      %dma_start3A = tpu.memref_slice %arg5[%mul3A_2] : memref<110592xf32, #tpu.memory_space<hbm>> -> memref<3456xf32, #tpu.memory_space<hbm>>
      %dma_start3A_5 = tpu.memref_slice %arg5[%mul3A_2] : memref<110592xf32, #tpu.memory_space<hbm>> -> memref<3456xf32, #tpu.memory_space<hbm>>
      tpu.enqueue_dma source(%arg7 : memref<3456xf32, #tpu.memory_space<vmem>>) target(%dma_start3A_5 : memref<3456xf32, #tpu.memory_space<hbm>>) target_semaphore(%run_scoped3A : memref<!tpu.dma_semaphore, #tpu.memory_space<semaphore_mem>>)
      %dma_wait3A = tpu.memref_slice %arg5[%mul3A_2] : memref<110592xf32, #tpu.memory_space<hbm>> -> memref<3456xf32, #tpu.memory_space<hbm>>
      %dma_wait3A_6 = tpu.memref_slice %arg5[%mul3A_2] : memref<110592xf32, #tpu.memory_space<hbm>> -> memref<3456xf32, #tpu.memory_space<hbm>>
      tpu.wait_dma2 semaphore(%run_scoped3A : memref<!tpu.dma_semaphore, #tpu.memory_space<semaphore_mem>>) src(%arg7 : memref<3456xf32, #tpu.memory_space<vmem>>) dst(%dma_wait3A_6 : memref<3456xf32, #tpu.memory_space<hbm>>)
      tpu.yield
    }) : () -> ()
    return
  }
}

module attributes {stable_mosaic.version = 14 : i64} {
  func.func @_prep_body(%arg0: memref<1x512xf32, #tpu.memory_space<vmem>>, %arg1: memref<512x1xf32, #tpu.memory_space<vmem>>, %arg2: memref<64x128xf32, #tpu.memory_space<vmem>>, %arg3: memref<64x128xf32, #tpu.memory_space<vmem>>) attributes {dimension_semantics = [], scalar_prefetch = 0 : i64, scratch_operands = 0 : i64, tpu.core_type = #tpu.core_type<tc>} {
    %get3A = arith.constant 0 : index
    %get3A_0 = arith.constant 0 : index
    %get3A_1 = vector.load %arg0[%get3A, %get3A_0] : memref<1x512xf32, #tpu.memory_space<vmem>>, vector<1x512xf32>
    %broadcast_in_dim3A = vector.shape_cast %get3A_1 : vector<1x512xf32> to vector<1x512xf32>
    %broadcast_in_dim3A_2 = vector.broadcast %broadcast_in_dim3A : vector<1x512xf32> to vector<512x512xf32>
    %get3A_3 = arith.constant 0 : index
    %get3A_4 = arith.constant 0 : index
    %get3A_5 = vector.load %arg1[%get3A_3, %get3A_4] : memref<512x1xf32, #tpu.memory_space<vmem>>, vector<512x1xf32>
    %broadcast_in_dim3A_6 = vector.shape_cast %get3A_5 : vector<512x1xf32> to vector<512x1xf32>
    %broadcast_in_dim3A_7 = vector.broadcast %broadcast_in_dim3A_6 : vector<512x1xf32> to vector<512x512xf32>
    %iota3A = tpu.iota {dimensions = array<i32: 0>} : vector<512x512xi32>
    %iota3A_8 = tpu.iota {dimensions = array<i32: 1>} : vector<512x512xi32>
    %lt3A = arith.cmpf olt, %broadcast_in_dim3A_7, %broadcast_in_dim3A_2 : vector<512x512xf32>
    %eq3A = arith.cmpf oeq, %broadcast_in_dim3A_7, %broadcast_in_dim3A_2 : vector<512x512xf32>
    %lt3A_9 = arith.cmpi slt, %iota3A, %iota3A_8 : vector<512x512xi32>
    %and3A = arith.andi %eq3A, %lt3A_9 : vector<512x512xi1>
    %or3A = arith.ori %lt3A, %and3A : vector<512x512xi1>
    %convert_element_type3A = arith.extui %or3A : vector<512x512xi1> to vector<512x512xi32>
    %reduce_sum3A = arith.constant dense<0> : vector<512xi32>
    %reduce_sum3A_10 = vector.multi_reduction <add>, %convert_element_type3A, %reduce_sum3A [0] : vector<512x512xi32> to vector<512xi32>
    %broadcast_in_dim3A_11 = vector.shape_cast %reduce_sum3A_10 : vector<512xi32> to vector<1x512xi32>
    %convert_element_type3A_12 = arith.extui %or3A : vector<512x512xi1> to vector<512x512xi32>
    %reduce_sum3A_13 = arith.constant dense<0> : vector<512xi32>
    %reduce_sum3A_14 = vector.multi_reduction <add>, %convert_element_type3A_12, %reduce_sum3A_13 [1] : vector<512x512xi32> to vector<512xi32>
    %broadcast_in_dim3A_15 = vector.shape_cast %reduce_sum3A_14 : vector<512xi32> to vector<512x1xi32>
    %sub3A = arith.constant 511 : i32
    %sub3A_16 = vector.broadcast %sub3A : i32 to vector<512x1xi32>
    %sub3A_17 = arith.subi %sub3A_16, %broadcast_in_dim3A_15 : vector<512x1xi32>
    %eq3A_18 = arith.cmpf oeq, %broadcast_in_dim3A_2, %broadcast_in_dim3A_7 : vector<512x512xf32>
    %jit3A = arith.constant -1 : i32
    %broadcast_in_dim3A_19 = vector.broadcast %jit3A : i32 to vector<512x512xi32>
    %select_n3A = arith.select %eq3A_18, %iota3A_8, %broadcast_in_dim3A_19 : vector<512x512xi1>, vector<512x512xi32>
    %reduce_max3A = arith.constant dense<-2147483648> : vector<512xi32>
    %reduce_max3A_20 = vector.multi_reduction <maxsi>, %select_n3A, %reduce_max3A [1] : vector<512x512xi32> to vector<512xi32>
    %broadcast_in_dim3A_21 = vector.shape_cast %reduce_max3A_20 : vector<512xi32> to vector<512x1xi32>
    %iota3A_22 = tpu.iota {dimensions = array<i32: 0>} : vector<64x512xi32>
    %jit3A_23 = arith.constant 8 : i32
    %div3A = vector.broadcast %jit3A_23 : i32 to vector<1x512xi32>
    %div3A_24 = arith.divsi %broadcast_in_dim3A_11, %div3A : vector<1x512xi32>
    %sign3A = arith.constant 0 : i32
    %sign3A_25 = vector.broadcast %sign3A : i32 to vector<1x512xi32>
    %sign3A_26 = arith.cmpi sgt, %broadcast_in_dim3A_11, %sign3A_25 : vector<1x512xi32>
    %sign3A_27 = arith.extui %sign3A_26 : vector<1x512xi1> to vector<1x512xi32>
    %sign3A_28 = arith.constant 0 : i32
    %sign3A_29 = vector.broadcast %sign3A_28 : i32 to vector<1x512xi32>
    %sign3A_30 = arith.cmpi slt, %broadcast_in_dim3A_11, %sign3A_29 : vector<1x512xi32>
    %sign3A_31 = arith.extui %sign3A_30 : vector<1x512xi1> to vector<1x512xi32>
    %sign3A_32 = arith.subi %sign3A_27, %sign3A_31 : vector<1x512xi32>
    %sign3A_33 = arith.constant 0 : i32
    %sign3A_34 = arith.cmpi sgt, %jit3A_23, %sign3A_33 : i32
    %sign3A_35 = arith.extui %sign3A_34 : i1 to i32
    %sign3A_36 = arith.constant 0 : i32
    %sign3A_37 = arith.cmpi slt, %jit3A_23, %sign3A_36 : i32
    %sign3A_38 = arith.extui %sign3A_37 : i1 to i32
    %sign3A_39 = arith.subi %sign3A_35, %sign3A_38 : i32
    %ne3A = vector.broadcast %sign3A_39 : i32 to vector<1x512xi32>
    %ne3A_40 = arith.cmpi ne, %sign3A_32, %ne3A : vector<1x512xi32>
    %rem3A = vector.broadcast %jit3A_23 : i32 to vector<1x512xi32>
    %rem3A_41 = arith.remsi %broadcast_in_dim3A_11, %rem3A : vector<1x512xi32>
    %ne3A_42 = arith.constant 0 : i32
    %ne3A_43 = vector.broadcast %ne3A_42 : i32 to vector<1x512xi32>
    %ne3A_44 = arith.cmpi ne, %rem3A_41, %ne3A_43 : vector<1x512xi32>
    %and3A_45 = arith.andi %ne3A_40, %ne3A_44 : vector<1x512xi1>
    %sub3A_46 = arith.constant 1 : i32
    %sub3A_47 = vector.broadcast %sub3A_46 : i32 to vector<1x512xi32>
    %sub3A_48 = arith.subi %div3A_24, %sub3A_47 : vector<1x512xi32>
    %select_n3A_49 = arith.select %and3A_45, %sub3A_48, %div3A_24 : vector<1x512xi1>, vector<1x512xi32>
    %broadcast_in_dim3A_50 = vector.shape_cast %select_n3A_49 : vector<1x512xi32> to vector<1x512xi32>
    %broadcast_in_dim3A_51 = vector.broadcast %broadcast_in_dim3A_50 : vector<1x512xi32> to vector<64x512xi32>
    %eq3A_52 = arith.cmpi eq, %iota3A_22, %broadcast_in_dim3A_51 : vector<64x512xi32>
    %convert_element_type3A_53 = arith.extui %eq3A_52 : vector<64x512xi1> to vector<64x512xi32>
    %convert_element_type3A_54 = arith.sitofp %convert_element_type3A_53 : vector<64x512xi32> to vector<64x512xf32>
    %iota3A_55 = tpu.iota {dimensions = array<i32: 1>} : vector<512x8xi32>
    %jit3A_56 = arith.constant 8 : i32
    %eq3A_57 = arith.constant 0 : i32
    %eq3A_58 = arith.cmpi eq, %jit3A_56, %eq3A_57 : i32
    %jit3A_59 = arith.constant 1 : i32
    %select_n3A_60 = arith.select %eq3A_58, %jit3A_59, %jit3A_56 : i32
    %rem3A_61 = vector.broadcast %select_n3A_60 : i32 to vector<512x1xi32>
    %rem3A_62 = arith.remsi %sub3A_17, %rem3A_61 : vector<512x1xi32>
    %ne3A_63 = arith.constant 0 : i32
    %ne3A_64 = vector.broadcast %ne3A_63 : i32 to vector<512x1xi32>
    %ne3A_65 = arith.cmpi ne, %rem3A_62, %ne3A_64 : vector<512x1xi32>
    %lt3A_66 = arith.constant 0 : i32
    %lt3A_67 = vector.broadcast %lt3A_66 : i32 to vector<512x1xi32>
    %lt3A_68 = arith.cmpi slt, %rem3A_62, %lt3A_67 : vector<512x1xi32>
    %lt3A_69 = arith.constant 0 : i32
    %lt3A_70 = arith.cmpi slt, %select_n3A_60, %lt3A_69 : i32
    %ne3A_71 = vector.broadcast %lt3A_70 : i1 to vector<512x1xi1>
    %ne3A_72 = vector.broadcast %ne3A_71 : vector<512x1xi1> to vector<512x1xi1>
    %ne3A_73 = arith.xori %lt3A_68, %ne3A_72 : vector<512x1xi1>
    %and3A_74 = arith.andi %ne3A_73, %ne3A_65 : vector<512x1xi1>
    %add3A = vector.broadcast %select_n3A_60 : i32 to vector<512x1xi32>
    %add3A_75 = arith.addi %rem3A_62, %add3A : vector<512x1xi32>
    %select_n3A_76 = arith.select %and3A_74, %add3A_75, %rem3A_62 : vector<512x1xi1>, vector<512x1xi32>
    %broadcast_in_dim3A_77 = vector.shape_cast %select_n3A_76 : vector<512x1xi32> to vector<512x1xi32>
    %broadcast_in_dim3A_78 = vector.broadcast %broadcast_in_dim3A_77 : vector<512x1xi32> to vector<512x8xi32>
    %eq3A_79 = arith.cmpi eq, %iota3A_55, %broadcast_in_dim3A_78 : vector<512x8xi32>
    %get3A_80 = arith.constant 0 : index
    %get3A_81 = arith.constant 0 : index
    %get3A_82 = vector.load %arg1[%get3A_80, %get3A_81] : memref<512x1xf32, #tpu.memory_space<vmem>>, vector<512x1xf32>
    %broadcast_in_dim3A_83 = vector.shape_cast %get3A_82 : vector<512x1xf32> to vector<512x1xf32>
    %broadcast_in_dim3A_84 = vector.broadcast %broadcast_in_dim3A_83 : vector<512x1xf32> to vector<512x8xf32>
    %jit3A_85 = arith.constant 0.000000e+00 : f32
    %broadcast_in_dim3A_86 = vector.broadcast %jit3A_85 : f32 to vector<512x8xf32>
    %select_n3A_87 = arith.select %eq3A_79, %broadcast_in_dim3A_84, %broadcast_in_dim3A_86 : vector<512x8xi1>, vector<512x8xf32>
    %convert_element_type3A_88 = arith.sitofp %broadcast_in_dim3A_21 : vector<512x1xi32> to vector<512x1xf32>
    %broadcast_in_dim3A_89 = vector.shape_cast %convert_element_type3A_88 : vector<512x1xf32> to vector<512x1xf32>
    %broadcast_in_dim3A_90 = vector.broadcast %broadcast_in_dim3A_89 : vector<512x1xf32> to vector<512x8xf32>
    %jit3A_91 = arith.constant 0.000000e+00 : f32
    %broadcast_in_dim3A_92 = vector.broadcast %jit3A_91 : f32 to vector<512x8xf32>
    %select_n3A_93 = arith.select %eq3A_79, %broadcast_in_dim3A_90, %broadcast_in_dim3A_92 : vector<512x8xi1>, vector<512x8xf32>
    %dot_general3A = arith.constant dense<0.000000e+00> : vector<64x8xf32>
    %dot_general3A_94 = tpu.matmul %convert_element_type3A_54, %select_n3A_87, %dot_general3A {dimension_numbers = #tpu.dot_dimension_numbers<[1], [0], [0], [1], [0, 0, 1, 1], [], []>, transpose_lhs_hint = false} : vector<64x512xf32>, vector<512x8xf32>, vector<64x8xf32> -> vector<64x8xf32>
    %dot_general3A_95 = arith.constant dense<0.000000e+00> : vector<64x8xf32>
    %dot_general3A_96 = tpu.matmul %convert_element_type3A_54, %select_n3A_93, %dot_general3A_95 {dimension_numbers = #tpu.dot_dimension_numbers<[1], [0], [0], [1], [0, 0, 1, 1], [], []>, transpose_lhs_hint = false} : vector<64x512xf32>, vector<512x8xf32>, vector<64x8xf32> -> vector<64x8xf32>
    %iota3A_97 = tpu.iota {dimensions = array<i32: 1>} : vector<8x128xi32>
    %jit3A_98 = arith.constant 16 : i32
    %div3A_99 = vector.broadcast %jit3A_98 : i32 to vector<8x128xi32>
    %div3A_100 = arith.divsi %iota3A_97, %div3A_99 : vector<8x128xi32>
    %sign3A_101 = arith.constant 0 : i32
    %sign3A_102 = vector.broadcast %sign3A_101 : i32 to vector<8x128xi32>
    %sign3A_103 = arith.cmpi sgt, %iota3A_97, %sign3A_102 : vector<8x128xi32>
    %sign3A_104 = arith.extui %sign3A_103 : vector<8x128xi1> to vector<8x128xi32>
    %sign3A_105 = arith.constant 0 : i32
    %sign3A_106 = vector.broadcast %sign3A_105 : i32 to vector<8x128xi32>
    %sign3A_107 = arith.cmpi slt, %iota3A_97, %sign3A_106 : vector<8x128xi32>
    %sign3A_108 = arith.extui %sign3A_107 : vector<8x128xi1> to vector<8x128xi32>
    %sign3A_109 = arith.subi %sign3A_104, %sign3A_108 : vector<8x128xi32>
    %sign3A_110 = arith.constant 0 : i32
    %sign3A_111 = arith.cmpi sgt, %jit3A_98, %sign3A_110 : i32
    %sign3A_112 = arith.extui %sign3A_111 : i1 to i32
    %sign3A_113 = arith.constant 0 : i32
    %sign3A_114 = arith.cmpi slt, %jit3A_98, %sign3A_113 : i32
    %sign3A_115 = arith.extui %sign3A_114 : i1 to i32
    %sign3A_116 = arith.subi %sign3A_112, %sign3A_115 : i32
    %ne3A_117 = vector.broadcast %sign3A_116 : i32 to vector<8x128xi32>
    %ne3A_118 = arith.cmpi ne, %sign3A_109, %ne3A_117 : vector<8x128xi32>
    %rem3A_119 = vector.broadcast %jit3A_98 : i32 to vector<8x128xi32>
    %rem3A_120 = arith.remsi %iota3A_97, %rem3A_119 : vector<8x128xi32>
    %ne3A_121 = arith.constant 0 : i32
    %ne3A_122 = vector.broadcast %ne3A_121 : i32 to vector<8x128xi32>
    %ne3A_123 = arith.cmpi ne, %rem3A_120, %ne3A_122 : vector<8x128xi32>
    %and3A_124 = arith.andi %ne3A_118, %ne3A_123 : vector<8x128xi1>
    %sub3A_125 = arith.constant 1 : i32
    %sub3A_126 = vector.broadcast %sub3A_125 : i32 to vector<8x128xi32>
    %sub3A_127 = arith.subi %div3A_100, %sub3A_126 : vector<8x128xi32>
    %select_n3A_128 = arith.select %and3A_124, %sub3A_127, %div3A_100 : vector<8x128xi1>, vector<8x128xi32>
    %iota3A_129 = tpu.iota {dimensions = array<i32: 0>} : vector<8x128xi32>
    %eq3A_130 = arith.cmpi eq, %select_n3A_128, %iota3A_129 : vector<8x128xi32>
    %convert_element_type3A_131 = arith.extui %eq3A_130 : vector<8x128xi1> to vector<8x128xi32>
    %convert_element_type3A_132 = arith.sitofp %convert_element_type3A_131 : vector<8x128xi32> to vector<8x128xf32>
    %dot_general3A_133 = arith.constant dense<0.000000e+00> : vector<64x128xf32>
    %dot_general3A_134 = tpu.matmul %dot_general3A_94, %convert_element_type3A_132, %dot_general3A_133 {dimension_numbers = #tpu.dot_dimension_numbers<[1], [0], [0], [1], [0, 0, 1, 1], [], []>, transpose_lhs_hint = false} : vector<64x8xf32>, vector<8x128xf32>, vector<64x128xf32> -> vector<64x128xf32>
    %swap3A = arith.constant 0 : index
    %swap3A_135 = arith.constant 0 : index
    %swap3A_136 = vector.load %arg2[%swap3A, %swap3A_135] : memref<64x128xf32, #tpu.memory_space<vmem>>, vector<64x128xf32>
    tpu.vector_store %arg2[%swap3A, %swap3A_135], %dot_general3A_134 {strides = array<i32>} : memref<64x128xf32, #tpu.memory_space<vmem>>, vector<64x128xf32>,
    %dot_general3A_137 = arith.constant dense<0.000000e+00> : vector<64x128xf32>
    %dot_general3A_138 = tpu.matmul %dot_general3A_96, %convert_element_type3A_132, %dot_general3A_137 {dimension_numbers = #tpu.dot_dimension_numbers<[1], [0], [0], [1], [0, 0, 1, 1], [], []>, transpose_lhs_hint = false} : vector<64x8xf32>, vector<8x128xf32>, vector<64x128xf32> -> vector<64x128xf32>
    %swap3A_139 = arith.constant 0 : index
    %swap3A_140 = arith.constant 0 : index
    %swap3A_141 = vector.load %arg3[%swap3A_139, %swap3A_140] : memref<64x128xf32, #tpu.memory_space<vmem>>, vector<64x128xf32>
    tpu.vector_store %arg3[%swap3A_139, %swap3A_140], %dot_general3A_138 {strides = array<i32>} : memref<64x128xf32, #tpu.memory_space<vmem>>, vector<64x128xf32>,
    return
  }
}

</mosaic_0001>

<sc_bundles>
// kernel: kernel.4.cloned.1.call-start
scs
__scs_entry_jumppad:
0x0: {  	(pc) =	sbr.rel $0x88, $3  }
0x1: {  	(tag) =	ssettag $0x0;
	lr =	simm.s32 $0x1  }
0x2: {  	[smem:$0x3F9F] =	sst lr;
	_ =	strace $0xD0000000  }
0x3: {  	_ = 	snop  }
0x4: {  	_ = 	snop  }
0x5: {  	_ = 	snop  }
0x6: {  	_ = 	snop  }
0x7: {  	_ = 	snop  }
__scs_overlays_trampoline_lowered:
0x8: {  	[smem:$0x3FAE] =	sst s0  }
0x9: {  	[smem:$0x3FAF] =	sst s1  }
0xa: {  	[smem:$0x3FB0] =	sst s2  }
0xb: {  	[smem:$0x3FB1] =	sst s3  }
0xc: {  	[smem:$0x3FB2] =	sst s4  }
0xd: {  	[smem:$0x3FB3] =	sst s5  }
0xe: {  	[smem:$0x3FB4] =	sst s6  }
0xf: {  	[smem:$0x3FB5] =	sst s7  }
0x10: {  	[smem:$0x3FB6] =	sst s8  }
0x11: {  	[smem:$0x3FB7] =	sst s9;
	s0 =	simm.s32 @!p0 $0x0  }
0x12: {  	s1 =	sld [smem:$0x3F9D];
	s0 =	simm.s32 @p0 $0x1  }
0x13: {  	[smem:$0x3FB8] =	sst s0;
	s0 =	simm.s32 @!p1 $0x0  }
0x14: {  	s2 =	sld [smem:$0x3F9C];
	s0 =	simm.s32 @p1 $0x1  }
0x15: {  	[smem:$0x3FB9] =	sst s0;
	s0 =	simm.s32 @!p2 $0x0  }
0x16: {  	s3 =	sld [smem:$0x3FDB];
	s0 =	simm.s32 @p2 $0x1  }
0x17: {  	s4 =	simm.s32 $0x1BF5;
	[smem:$0x3FBB] =	sst s0  }
0x18: {  	s0 =	sld [smem:$0x3F9E];
	_ =	swait.ge [sflag:s4], $0x0  }
0x19: {  	s7 =	sld [smem:$0x3F9F]  }
0x1a: {  	s8 =	sadd.s32 $0xFFFFE003, lr  }
0x1b: {  	s9 =	sadd.s32 $0xFFFFFEF7, lr;
	s5 =	simm.s32 $0xFFFFFFFF;
	p2 =	slt.u32 s8, $0xFFFFF086  }
0x1c: {  	p1 =	slt.u32 s9, $0xF7A;
	s5 =	simm.s32 @!p2 $0x0  }
0x1d: {  	s5 =	simm.s32 @p1 $0x1;
	p0 =	seq.s32 s7, s2  }
0x1e: {  	s7 =	smul.u32 @!p0 $0xF7A, s2;
	p2 =	seq.s32 @!p0 s5, $0x0  }
0x1f: {  	s9 =	smul.u32 $0xF7A, s1;
	s8 =	simm.s32 @!p0 $0x1BF5;
	p2 =	por !p2, p0  }
0x20: {  	[sflag:s8] =	ssyncset.s32 @!p0 $0xFFFFF086;
	s6 =	sadd.s32 @!p0 s3, s7;
	s7 =	simm.s32 @!p0 $0x108  }
0x21: {  	s3 =	sadd.s32 s3, s9;
	s6 =	sadd.s32 @!p0 $0x88, s6;
	s7 =	simm.s32 @p2 $0x1082  }
0x22: {  	[simem:s7], [sflag:s8] =	dma.local @!p0 [hbm:s6], $0xF7A  }
0x23: {  	s9 =	sor.u32 $0xD0000000, s2;
	s6 =	simm.s32 $0x108;
	_ =	swait.ge @!p0 [sflag:s8], $0x0  }
0x24: {  	s3 =	sadd.s32 $0x88, s3;
	s6 =	simm.s32 @!p1 $0x1082;
	[sflag:s4] =	ssyncset.s32 $0xFFFFF086  }
0x25: {  	[simem:s6], [sflag:s4] =	dma.local [hbm:s3], $0xF7A  }
0x26: {  	[smem:$0x3F9F] =	sst s1;
	(tag) =	ssettag s2;
	_ =	strace s9  }
0x27: {  	s1 =	sld [smem:$0x3FAF]  }
0x28: {  	s2 =	sld [smem:$0x3FB0]  }
0x29: {  	s4 =	sld [smem:$0x3FB2]  }
0x2a: {  	p0 =	seq.s32 s5, $0x0;
	s5 =	sld [smem:$0x3FB3]  }
0x2b: {  	s6 =	sld [smem:$0x3FB4]  }
0x2c: {  	s7 =	sld [smem:$0x3FB5]  }
0x2d: {  	s3 =	simm.s32 $0x108;
	s8 =	sld [smem:$0x3FB6]  }
0x2e: {  	s3 =	simm.s32 @!p0 $0x1082;
	s9 =	sld [smem:$0x3FB7]  }
0x2f: {  	lr =	sadd.s32 s0, s3;
	s0 =	sld [smem:$0x3FAE]  }
0x30: {  	s3 =	sld [smem:$0x3FB1]  }
0x31: {  	[smem:$0x3FBA] =	sst s10  }
0x32: {  	s10 =	sld [smem:$0x3FB8];
	_ =	sdelay $0x3  }
0x33: {  	p0 =	seq.s32 s10, $0x1;
	s10 =	sld [smem:$0x3FBA];
	_ =	sdelay $0x3  }
0x34: {  	[smem:$0x3FBA] =	sst s10  }
0x35: {  	s10 =	sld [smem:$0x3FB9];
	_ =	sdelay $0x3  }
0x36: {  	p1 =	seq.s32 s10, $0x1;
	s10 =	sld [smem:$0x3FBA];
	_ =	sdelay $0x3  }
0x37: {  	[smem:$0x3FBA] =	sst s10  }
0x38: {  	s10 =	sld [smem:$0x3FBB]  }
0x39: {  	_ = 	snop;
	(pc) =	sbr.ind lr, $3  }
0x3a: {  	_ = 	snop  }
0x3b: {  	_ = 	snop  }
0x3c: {  	p2 =	seq.s32 s10, $0x1;
	s10 =	sld [smem:$0x3FBA]  }
0x3d: {  	_ =	shalt  }
0x3e: {  	_ =	shalt  }
0x3f: {  	_ =	shalt  }
0x40: {  	_ =	shalt  }
0x41: {  	_ =	shalt  }
0x42: {  	_ =	shalt  }
0x43: {  	_ =	shalt  }
0x44: {  	_ =	shalt  }
0x45: {  	_ =	shalt  }
0x46: {  	_ =	shalt  }
0x47: {  	_ =	shalt  }
0x48: {  	_ =	shalt  }
0x49: {  	_ =	shalt  }
0x4a: {  	_ =	shalt  }
0x4b: {  	_ =	shalt  }
0x4c: {  	_ =	shalt  }
0x4d: {  	_ =	shalt  }
0x4e: {  	_ =	shalt  }
0x4f: {  	_ =	shalt  }
0x50: {  	_ =	shalt  }
0x51: {  	_ =	shalt  }
0x52: {  	_ =	shalt  }
0x53: {  	_ =	shalt  }
0x54: {  	_ =	shalt  }
0x55: {  	_ =	shalt  }
0x56: {  	_ =	shalt  }
0x57: {  	_ =	shalt  }
0x58: {  	_ =	shalt  }
0x59: {  	_ =	shalt  }
0x5a: {  	_ =	shalt  }
0x5b: {  	_ =	shalt  }
0x5c: {  	_ =	shalt  }
0x5d: {  	_ =	shalt  }
0x5e: {  	_ =	shalt  }
0x5f: {  	_ =	shalt  }
0x60: {  	_ =	shalt  }
0x61: {  	_ =	shalt  }
0x62: {  	_ =	shalt  }
0x63: {  	_ =	shalt  }
0x64: {  	_ =	shalt  }
0x65: {  	_ =	shalt  }
0x66: {  	_ =	shalt  }
0x67: {  	_ =	shalt  }
0x68: {  	_ =	shalt  }
0x69: {  	_ =	shalt  }
0x6a: {  	_ =	shalt  }
0x6b: {  	_ =	shalt  }
0x6c: {  	_ =	shalt  }
0x6d: {  	_ =	shalt  }
0x6e: {  	_ =	shalt  }
0x6f: {  	_ =	shalt  }
0x70: {  	_ =	shalt  }
0x71: {  	_ =	shalt  }
0x72: {  	_ =	shalt  }
0x73: {  	_ =	shalt  }
0x74: {  	_ =	shalt  }
0x75: {  	_ =	shalt  }
0x76: {  	_ =	shalt  }
0x77: {  	_ =	shalt  }
0x78: {  	_ =	shalt  }
0x79: {  	_ =	shalt  }
0x7a: {  	_ =	shalt  }
0x7b: {  	_ =	shalt  }
0x7c: {  	_ =	shalt  }
0x7d: {  	_ =	shalt  }
0x7e: {  	_ =	shalt  }
0x7f: {  	_ =	shalt  }
0x80: {  	_ =	shalt  }
0x81: {  	_ =	shalt  }
0x82: {  	_ =	shalt  }
0x83: {  	_ =	shalt  }
0x84: {  	_ =	shalt  }
0x85: {  	_ =	shalt  }
0x86: {  	_ =	shalt  }
0x87: {  	_ =	shalt  }
.Lfunc_end0:
.L_simem_size_0:
called_computation_lowered:
.L_overlay_start_0:
0x88: {  	s2 =	sld [smem:$0x3FD9]  }
0x89: {  	s3 =	sld [smem:$0x3FFE];
	_ =	sdelay $0x1  }
0x8a: {  	s1 =	srdreg.scid  }
0x8b: {  	s0 =	sand.u32 $0x1, s1  }
0x8c: {  	s17 =	sshll.u32 s0, $0xA;
	s2 =	sadd.s32 s3, s2  }
0x8d: {  	s2 =	sadd.s32 s2, s17  }
0x8e: {  	[smem:$0x3FC6] =	sst s2  }
0x8f: {  	_ = 	snop  }
0x90: {  	s2 =	sld [smem:$0x3FD0];
	(tm) =	ssettm $0x1  }
0x91: {  	s18 =	sld [smem:$0x3FFB];
	_ =	sdelay $0x3  }
0x92: {  	_ =	strace s18  }
0x93: {  	s3 =	sld [smem:$0x3FFC];
	_ =	sdelay $0x3  }
0x94: {  	_ =	strace s3  }
0x95: {  	s3 =	sld [smem:$0x3FFD];
	_ =	sdelay $0x3  }
0x96: {  	_ =	strace s3  }
0x97: {  	_ =	strace $0x8FFFFFFF  }
0x98: {  	s19 =	sld [smem:$0x3FDB];
	_ =	sdelay $0x1  }
0x99: {  	s4 =	simm.s32 $_scs_section_size  }
0x9a: {  	s5 =	simm.s32 $_size__tile_overlayer_lowered;
	s6 =	simm.s32 $_tile_overlayer_lowered  }
0x9b: {  	s22 =	simm.s32 $0x1BFF;
	s21 =	sshll.u32 s6, $0x1;
	s3 =	sadd.s32 s4, s19  }
0x9c: {  	s7 =	simm.s32 $0x0;
	s20 =	sshll.u32 s5, $0x1;
	s5 =	sadd.s32 s21, s3  }
0x9d: {  	[timem:s7], [sflag:s22] =	dma.local [hbm:s5], s20  }
0x9e: {  	_ =	swait.ge [sflag:s22], s20  }
0x9f: {  	s4 =	ssub.s32 $0x0, s20;
	[sflag:s22] =	ssyncset.done $0x0  }
0xa0: {  	[sflag:s22] =	ssyncadd.s32 s4;
	_ =	sdelay $0x1  }
0xa1: {  	s23 =	simm.s32 $0x1B8B  }
0xa2: {  	_ =	swait.ge [sflag:s23], $0x1  }
0xa3: {  	[sflag:s23] =	ssyncset.done $0x0  }
0xa4: {  	s25 =	simm.s32 $0x1B8E;
	s24 =	sld [smem:$0x3FFE];
	[sflag:s23] =	ssyncadd.s32 $0xFFFFFFFF  }
0xa5: {  	s26 =	simm.s32 $execute0_lowered;
	[smem:$0x3FD2] =	sst s25  }
0xa6: {  	s5 =	sshll.u32 s26, $0x1;
	_ =	strace $0x80000046;
	[dreg:$0x1] =	wrdreg $0xFFFFFFFF  }
0xa7: {  	s28 =	simm.s32 $_size_execute0_lowered;
	s3 =	sadd.s32 s3, s5;
	[dreg:$0x0] =	wrdreg $0x0  }
0xa8: {  	s5 =	sshll.u32 s28, $0x1;
	[dreg:$0x2] =	wrdreg s3  }
0xa9: {  	[dreg:$0x3] =	wrdreg s5  }
0xaa: {  	[dreg:$0x4] =	wrdreg $0xC0  }
0xab: {  	_ =	task [dreg:s7], $0x5FFFF  }
0xac: {  	[dreg:$0x1] =	wrdreg $0xFFFFFFFF  }
0xad: {  	[dreg:$0x0] =	wrdreg $0x60  }
0xae: {  	[dreg:$0x2] =	wrdreg s2  }
0xaf: {  	[dreg:$0x3] =	wrdreg s24  }
0xb0: {  	[dreg:$0x4] =	wrdreg $0x9  }
0xb1: {  	_ =	task.clear_ibuf [dreg:s7], $0x5FFFF;
	_ =	strace $0x90000046  }
0xb2: {  	s29 =	simm.s32 $0x9;
	_ =	strace $0x80000048  }
0xb3: {  	_ =	swait.ge [sflag:s29], $0x1  }
0xb4: {  	[sflag:s29] =	ssyncadd.s32 $0xFFFFFFFF  }
0xb5: {  	_ =	strace $0x90000048  }
0xb6: {  	_ =	sfence  }
0xb7: {  	s30 =	sld [smem:$0x0];
	_ =	sdelay $0x2  }
0xb8: {  	s31 =	sshll.u32 s1, $0xD;
	s1 =	sshrl.u32 s1, $0x2  }
0xb9: {  	s3 =	sand.u32 $0x4000, s31;
	s1 =	sadd.s32 s1, s30  }
0xba: {  	s0 =	sor.u32 s3, s0;
	s1 =	sshll.u32 s1, $0x11  }
0xbb: {  	s0 =	sor.u32 s1, s0  }
0xbc: {  	s0 =	sadd.s32 $0x8F2B, s0  }
0xbd: {  	[sflag:s0] =	ssyncadd.remote.s32 $0x1  }
0xbe: {  	_ =	sfence.sel $0xFFFF  }
0xbf: {  	[dreg:$0x0] =	wrdreg $0xFFFFFFFF;
	(pc) =	sbr.abs _section_cstart, $3  }
0xc0: {  	[dreg:$0x1] =	wrdreg $0xFFFFFFFF  }
0xc1: {  	_ =	task.clear_ibuf [dreg:s7], $0x2FFFF;
	_ =	strace $0x9FFFFFFF  }
0xc2: {  	(tm) =	ssettm $0x7FFFFFFF  }
0xc3: {  	_ =	shalt  }
tec
execute0_lowered:
.L_overlay_start_1:
0x0: {  	(tag) =	ssettag $0x1  }
0x1: {  	s5 =	rddreg [dreg:$0x0];
	s1 =	srdreg.scid  }
0x2: {  	s0 =	stileid.u32;
	s6 =	rddreg [dreg:$0x1];
	s2 =	simm.s32 $0x0  }
0x3: {  	s10 =	simm.s32 $0x3B00;
	s11 =	simm.s32 $0xD80;
	s12 =	simm.s32 $0x0  }
0x4: {  	s4 =	sand.u32 $0x1, s1;
	s3 =	sshll.u32 s0, $0x1;
	s1 =	rddreg [dreg:$0x2]  }
0x5: {  	v0 =	vlaneseq.u32;
	[smem:$0x7FF] =	sst s2;
	s3 =	sor.u32 s4, s3;
	s8 =	ssub.s32 $0x2, s4  }
0x6: {  	v1 =	vor.u32 $0xFF0, v0;
	_ =	strace $0x80000047;
	s7 =	smul.u32 $0x1B0, s3;
	s9 =	sshrl.u32 s8, $0x1  }
0x7: {  	v2 =	vimm.s32 $0x0;
	v3 =	vor.u32 $0x7F0, v0;
	v4 =	vor.u32 $0x3F0, v0;
	s4 =	sadd.s32 $0x1000, s6;
	s3 =	sadd.s32 $0xC00, s6;
	s8 =	ssub.s32 s8, s9  }
0x8: {  	v5 =	vor.u32 $0x1F0, v0;
	v6 =	vor.u32 $0xF0, v0;
	v7 =	vor.u32 $0x70, v0;
	s9 =	simm.s32 $0x1;
	s6 =	sadd.s32 s7, s6;
	s5 =	sadd.s32 s5, s7  }
0x9: {  	v8 =	vor.u32 $0x30, v0;
	v9 =	vor.u32 $0x10, v0;
	v10 =	vor.u32 $0xFFFFFFF0, v0;
	s7 =	smax.u32 s8, $0x1;
	s8 =	simm.s32 $0x1B00;
	s6 =	sadd.s32 $0x1400, s6  }
.LBB2_1:
0xa: {  	[tilespmem:s8], [sflag:$0x1] =	stream.linear.gather [hbm4b:s3+s2], $0x2000, $0x38;
	[tilespmem:$0x5B00] =	vst v63  }
0xb: {  	_ =	swait.ge [sflag:s9], $0x2000  }
0xc: {  	[sflag:s9] =	ssyncset.done $0x0  }
0xd: {  	[sflag:s9] =	ssyncadd.s32 $0xFFFFE000  }
0xe: {  	[tilespmem:s10], [sflag:$0x1] =	stream.linear.gather [hbm4b:s4+s2], $0x2000, $0x38;
	[tilespmem:$0x5B00] =	vst v63  }
0xf: {  	_ =	swait.ge [sflag:s9], $0x2000  }
0x10: {  	[sflag:s9] =	ssyncset.done $0x0  }
0x11: {  	[sflag:s9] =	ssyncadd.s32 $0xFFFFE000  }
0x12: {  	[tilespmem:s2], [sflag:$0x1] =	stream.linear.gather [hbm4b:s5+s2], $0xD80, $0x38;
	[tilespmem:$0x5B00] =	vst v63  }
0x13: {  	_ =	swait.ge [sflag:s9], $0xD80  }
0x14: {  	s13 =	simm.s32 $0xFFFFFFE8;
	[sflag:s9] =	ssyncset.done $0x0  }
0x15: {  	s14 =	simm.s32 $0xE40;
	s15 =	simm.s32 $0xC0;
	[sflag:s9] =	ssyncadd.s32 $0xFFFFF280  }
.LBB2_2:
0x16: {  	v15 =	vld [tilespmem:s15+$0xFFFFFF40]  }
0x17: {  	v13 =	vld.idx.msk [tilespmem:v1+s8+$0x0], $0xffff;
	_ =	sdelay $0x4  }
0x18: {  	vm0 =	vlt.f32 v13, v15  }
0x19: {  	v11 =	vsel vm0, $0x1000, v2  }
0x1a: {  	v12 =	vor.u32 v3, v11;
	_ =	sdelay $0x4  }
0x1b: {  	v14 =	vld.idx.msk [tilespmem:v12+s8+$0x0], $0xffff  }
0x1c: {  	v12 =	vld [tilespmem:s15+$0xFFFFFF50];
	_ =	sdelay $0x3  }
0x1d: {  	v36 =	vor.u32 $0x800, v11;
	vm4 =	vlt.f32 v14, v15  }
0x1e: {  	vm5 =	vlt.f32 v13, v12;
	v14 =	vsel vm4, v36, v11  }
0x1f: {  	v16 =	vsel vm5, $0x1000, v2;
	v11 =	vor.u32 v4, v14  }
0x20: {  	v17 =	vor.u32 v3, v16;
	_ =	sdelay $0x3  }
0x21: {  	v11 =	vld.idx.msk [tilespmem:v11+s8+$0x0], $0xffff  }
0x22: {  	v17 =	vld.idx.msk [tilespmem:v17+s8+$0x0], $0xffff;
	_ =	sdelay $0x3  }
0x23: {  	vm6 =	vlt.f32 v11, v15;
	v11 =	vld [tilespmem:s15+$0xFFFFFF60]  }
0x24: {  	v37 =	vor.u32 $0x800, v16;
	vm7 =	vlt.f32 v17, v12  }
0x25: {  	v18 =	vor.u32 $0x400, v14;
	v16 =	vsel vm7, v37, v16  }
0x26: {  	v14 =	vsel vm6, v18, v14;
	v17 =	vor.u32 v4, v16  }
0x27: {  	v18 =	vor.u32 v5, v14  }
0x28: {  	vm8 =	vlt.f32 v13, v11  }
0x29: {  	v19 =	vsel vm8, $0x1000, v2  }
0x2a: {  	v20 =	vor.u32 v3, v19  }
0x2b: {  	v17 =	vld.idx.msk [tilespmem:v17+s8+$0x0], $0xffff  }
0x2c: {  	v18 =	vld.idx.msk [tilespmem:v18+s8+$0x0], $0xffff;
	_ =	sdelay $0x2  }
0x2d: {  	v20 =	vld.idx.msk [tilespmem:v20+s8+$0x0], $0xffff  }
0x2e: {  	v39 =	vor.u32 $0x400, v16;
	vm10 =	vlt.f32 v17, v12  }
0x2f: {  	v38 =	vor.u32 $0x200, v14;
	vm9 =	vlt.f32 v18, v15;
	v16 =	vsel vm10, v39, v16  }
0x30: {  	v18 =	vsel vm9, v38, v14;
	v14 =	vld [tilespmem:s15+$0xFFFFFF70];
	v17 =	vor.u32 v5, v16  }
0x31: {  	v21 =	vadd.s32 v6, v18  }
0x32: {  	v40 =	vor.u32 $0x800, v19;
	vm11 =	vlt.f32 v20, v11  }
0x33: {  	v19 =	vsel vm11, v40, v19  }
0x34: {  	v42 =	vor.u32 v4, v19  }
0x35: {  	vm12 =	vlt.f32 v13, v14;
	v17 =	vld.idx.msk [tilespmem:v17+s8+$0x0], $0xffff  }
0x36: {  	v41 =	vld.idx.msk [tilespmem:v21+s8+$0x0], $0xffff;
	v22 =	vsel vm12, $0x1000, v2  }
0x37: {  	v23 =	vor.u32 v3, v22;
	_ =	sdelay $0x1  }
0x38: {  	v21 =	vld.idx.msk [tilespmem:v42+s8+$0x0], $0xffff  }
0x39: {  	vm14 =	vlt.f32 v17, v12;
	v17 =	vld [tilespmem:s15+$0xFFFFFF80]  }
0x3a: {  	v43 =	vadd.s32 $0x100, v18;
	vm13 =	vlt.f32 v41, v15  }
0x3b: {  	v44 =	vor.u32 $0x200, v16;
	v18 =	vsel vm13, v43, v18;
	v23 =	vld.idx.msk [tilespmem:v23+s8+$0x0], $0xffff  }
0x3c: {  	v16 =	vsel vm14, v44, v16;
	v20 =	vadd.s32 v7, v18  }
0x3d: {  	v45 =	vor.u32 $0x400, v19;
	v24 =	vadd.s32 v6, v16;
	vm15 =	vlt.f32 v21, v11  }
0x3e: {  	vm5 =	vlt.f32 v13, v17;
	v19 =	vsel vm15, v45, v19  }
0x3f: {  	v25 =	vsel vm5, $0x1000, v2;
	v21 =	vor.u32 v5, v19  }
0x40: {  	v46 =	vor.u32 $0x800, v22;
	vm4 =	vlt.f32 v23, v14;
	v26 =	vor.u32 v3, v25  }
0x41: {  	v20 =	vld.idx.msk [tilespmem:v20+s8+$0x0], $0xffff;
	v22 =	vsel vm4, v46, v22  }
0x42: {  	v47 =	vld.idx.msk [tilespmem:v24+s8+$0x0], $0xffff;
	v48 =	vor.u32 v4, v22;
	_ =	sdelay $0x1  }
0x43: {  	v21 =	vld.idx.msk [tilespmem:v21+s8+$0x0], $0xffff  }
0x44: {  	v51 =	vld.idx.msk [tilespmem:v26+s8+$0x0], $0xffff  }
0x45: {  	v49 =	vadd.s32 $0x80, v18;
	vm6 =	vlt.f32 v20, v15  }
0x46: {  	v50 =	vadd.s32 $0x100, v16;
	vm7 =	vlt.f32 v47, v12;
	v18 =	vsel vm6, v49, v18;
	v24 =	vld.idx.msk [tilespmem:v48+s8+$0x0], $0xffff  }
0x47: {  	v23 =	vsel vm7, v50, v16;
	v20 =	vadd.s32 v8, v18  }
0x48: {  	v53 =	vor.u32 $0x200, v19;
	v52 =	vadd.s32 v7, v23;
	vm8 =	vlt.f32 v21, v11  }
0x49: {  	v55 =	vor.u32 $0x800, v25;
	vm10 =	vlt.f32 v51, v17;
	v19 =	vsel vm8, v53, v19  }
0x4a: {  	v16 =	vld [tilespmem:s15+$0xFFFFFF90];
	v25 =	vsel vm10, v55, v25;
	v21 =	vadd.s32 v6, v19  }
0x4b: {  	v54 =	vor.u32 $0x400, v22;
	vm9 =	vlt.f32 v24, v14;
	v27 =	vor.u32 v4, v25  }
0x4c: {  	v20 =	vld.idx.msk [tilespmem:v20+s8+$0x0], $0xffff;
	v22 =	vsel vm9, v54, v22  }
0x4d: {  	v56 =	vld.idx.msk [tilespmem:v52+s8+$0x0], $0xffff;
	v57 =	vor.u32 v5, v22;
	_ =	sdelay $0x1  }
0x4e: {  	vm13 =	vlt.f32 v13, v16;
	v21 =	vld.idx.msk [tilespmem:v21+s8+$0x0], $0xffff  }
0x4f: {  	v28 =	vsel vm13, $0x1000, v2;
	v60 =	vld.idx.msk [tilespmem:v27+s8+$0x0], $0xffff  }
0x50: {  	v58 =	vadd.s32 $0x40, v18;
	v63 =	vor.u32 v3, v28;
	vm11 =	vlt.f32 v20, v15  }
0x51: {  	v59 =	vadd.s32 $0x80, v23;
	vm12 =	vlt.f32 v56, v12;
	v18 =	vsel vm11, v58, v18;
	v26 =	vld.idx.msk [tilespmem:v57+s8+$0x0], $0xffff  }
0x52: {  	v23 =	vsel vm12, v59, v23;
	v20 =	vadd.s32 v9, v18  }
0x53: {  	v62 =	vadd.s32 $0x100, v19;
	v61 =	vadd.s32 v8, v23;
	vm1 =	vlt.f32 v21, v11  }
0x54: {  	v33 =	vor.u32 $0x400, v25;
	vm15 =	vlt.f32 v60, v17;
	v19 =	vsel vm1, v62, v19  }
0x55: {  	v21 =	vld.idx.msk [tilespmem:v63+s8+$0x0], $0xffff;
	v24 =	vsel vm15, v33, v25;
	v29 =	vadd.s32 v7, v19  }
0x56: {  	v32 =	vor.u32 $0x200, v22;
	vm14 =	vlt.f32 v26, v14;
	v25 =	vor.u32 v5, v24  }
0x57: {  	v20 =	vld.idx.msk [tilespmem:v20+s8+$0x0], $0xffff;
	v22 =	vsel vm14, v32, v22  }
0x58: {  	v34 =	vld.idx.msk [tilespmem:v61+s8+$0x0], $0xffff;
	v35 =	vadd.s32 v6, v22;
	_ =	sdelay $0x1  }
0x59: {  	v40 =	vor.u32 $0x800, v28;
	vm6 =	vlt.f32 v21, v16;
	v29 =	vld.idx.msk [tilespmem:v29+s8+$0x0], $0xffff  }
0x5a: {  	v28 =	vsel vm6, v40, v28;
	v25 =	vld.idx.msk [tilespmem:v25+s8+$0x0], $0xffff  }
0x5b: {  	v36 =	vadd.s32 $0x20, v18;
	vm4 =	vlt.f32 v20, v15;
	v42 =	vor.u32 v4, v28  }
0x5c: {  	v37 =	vadd.s32 $0x40, v23;
	vm5 =	vlt.f32 v34, v12;
	v20 =	vsel vm4, v36, v18;
	v38 =	vld.idx.msk [tilespmem:v35+s8+$0x0], $0xffff  }
0x5d: {  	v23 =	vsel vm5, v37, v23;
	v18 =	vld [tilespmem:s15+$0xFFFFFFA0];
	v30 =	vadd.s32 v0, v20  }
0x5e: {  	v41 =	vadd.s32 $0x80, v19;
	v39 =	vadd.s32 v9, v23;
	vm7 =	vlt.f32 v29, v11  }
0x5f: {  	v46 =	vor.u32 $0x200, v24;
	vm9 =	vlt.f32 v25, v17;
	v19 =	vsel vm7, v41, v19  }
0x60: {  	v21 =	vld.idx.msk [tilespmem:v42+s8+$0x0], $0xffff;
	v24 =	vsel vm9, v46, v24;
	v44 =	vadd.s32 v8, v19  }
0x61: {  	v45 =	vadd.s32 $0x100, v22;
	vm8 =	vlt.f32 v38, v14;
	v25 =	vadd.s32 v6, v24  }
0x62: {  	vm10 =	vlt.f32 v13, v18;
	v43 =	vld.idx.msk [tilespmem:v30+s8+$0x0], $0xffff;
	v22 =	vsel vm8, v45, v22  }
0x63: {  	v47 =	vld.idx.msk [tilespmem:v39+s8+$0x0], $0xffff;
	v31 =	vsel vm10, $0x1000, v2;
	v48 =	vadd.s32 v7, v22  }
0x64: {  	v32 =	vor.u32 v3, v31  }
0x65: {  	v51 =	vor.u32 $0x400, v28;
	vm13 =	vlt.f32 v21, v16;
	v30 =	vld.idx.msk [tilespmem:v44+s8+$0x0], $0xffff  }
0x66: {  	v28 =	vsel vm13, v51, v28;
	v25 =	vld.idx.msk [tilespmem:v25+s8+$0x0], $0xffff  }
0x67: {  	v49 =	vadd.s32 $0x10, v20;
	v50 =	vadd.s32 $0x20, v23;
	v53 =	vor.u32 v5, v28  }
0x68: {  	v52 =	vadd.s32 $0x40, v19;
	vm11 =	vlt.f32 v43, v15;
	vm12 =	vlt.f32 v47, v12;
	v27 =	vld.idx.msk [tilespmem:v48+s8+$0x0], $0xffff  }
0x69: {  	v55 =	vadd.s32 $0x100, v24;
	v20 =	vsel vm11, v49, v20;
	v23 =	vsel vm12, v50, v23;
	v32 =	vld.idx.msk [tilespmem:v32+s8+$0x0], $0xffff  }
0x6a: {  	v29 =	vmax.u32 v20, $0x10;
	v26 =	vadd.s32 v0, v23;
	v33 =	vadd.s32 v0, v20  }
0x6b: {  	v20 =	vld [tilespmem:s15+$0xFFFFFFB0];
	v29 =	vadd.s32 v10, v29;
	vm14 =	vlt.f32 v30, v11;
	vm4 =	vlt.f32 v25, v17  }
0x6c: {  	v54 =	vadd.s32 $0x80, v22;
	v30 =	vsel vm14, v52, v19;
	v24 =	vsel vm4, v55, v24;
	v19 =	vld.idx.msk [tilespmem:v53+s8+$0x0], $0xffff  }
0x6d: {  	v57 =	vor.u32 $0x800, v31;
	vm15 =	vlt.f32 v27, v14;
	v35 =	vadd.s32 v7, v24  }
0x6e: {  	vm5 =	vlt.f32 v32, v18;
	v34 =	vadd.s32 v9, v30;
	v27 =	vsel vm15, v54, v22  }
0x6f: {  	v26 =	vld.idx.msk [tilespmem:v26+s8+$0x0], $0xffff;
	v31 =	vsel vm5, v57, v31;
	v56 =	vadd.s32 v8, v27  }
0x70: {  	vm6 =	vlt.f32 v13, v20;
	v21 =	vld.idx.msk [tilespmem:v29+s8+$0x0], $0xffff;
	v58 =	vor.u32 v4, v31  }
0x71: {  	v36 =	vsel vm6, $0x1000, v2;
	vm8 =	vlt.f32 v19, v16;
	v19 =	vld [tilespmem:s15+$0xFFFFFFC0]  }
0x72: {  	v61 =	vor.u32 $0x200, v28;
	v37 =	vor.u32 v3, v36;
	v59 =	vld.idx.msk [tilespmem:v35+s8+$0x0], $0xffff  }
0x73: {  	v34 =	vld.idx.msk [tilespmem:v34+s8+$0x0], $0xffff;
	v28 =	vsel vm8, v61, v28  }
0x74: {  	v60 =	vadd.s32 $0x10, v23;
	v45 =	vadd.s32 $0x80, v24;
	v25 =	vld.idx.msk [tilespmem:v56+s8+$0x0], $0xffff;
	v42 =	vadd.s32 v6, v28  }
0x75: {  	v47 =	vadd.s32 $0x20, v30;
	v43 =	vadd.s32 $0x40, v27;
	v39 =	vor.u32 $0x400, v31;
	v62 =	vld.idx.msk [tilespmem:v58+s8+$0x0], $0xffff  }
0x76: {  	v22 =	vld.idx.msk [tilespmem:v33+s8+$0x0], $0xffff;
	v51 =	vor.u32 $0x800, v36;
	vm7 =	vlt.f32 v26, v12;
	vm15 =	vlt.f32 v13, v19  }
0x77: {  	v38 =	vsub.f32 v15, v21;
	v44 =	vld.idx.msk [tilespmem:v37+s8+$0x0], $0xffff;
	vm11 =	vlt.f32 v59, v17;
	v41 =	vsel vm15, $0x1000, v2  }
0x78: {  	v46 =	vld.idx.msk [tilespmem:v29+s10+$0x0], $0xffff;
	vm9 =	vlt.f32 v34, v11;
	v24 =	vsel vm11, v45, v24;
	v58 =	vor.u32 v3, v41  }
0x79: {  	vm10 =	vlt.f32 v25, v14;
	v29 =	vsel vm9, v47, v30;
	v49 =	vld.idx.msk [tilespmem:v42+s8+$0x0], $0xffff;
	v26 =	vadd.s32 v8, v24  }
0x7a: {  	v33 =	vld.idx.msk [tilespmem:v33+s10+$0x0], $0xffff;
	vm12 =	vlt.f32 v62, v18;
	v25 =	vsel vm10, v43, v27;
	v52 =	vadd.s32 v0, v29  }
0x7b: {  	v23 =	vsel vm7, v60, v23;
	v31 =	vsel vm12, v39, v31;
	v48 =	vadd.s32 v9, v25  }
0x7c: {  	v15 =	vsub.f32 v22, v15;
	vm13 =	vlt.f32 v44, v20;
	v50 =	vor.u32 v5, v31  }
0x7d: {  	v63 =	vmax.u32 v23, $0x10;
	v23 =	vadd.s32 v0, v23;
	v34 =	vsel vm13, v51, v36;
	v30 =	vld.idx.msk [tilespmem:v58+s8+$0x0], $0xffff  }
0x7e: {  	v55 =	vadd.s32 $0x100, v28;
	v54 =	vor.u32 v4, v34;
	vm2 =	vlt.f32 v49, v16;
	v26 =	vld.idx.msk [tilespmem:v26+s8+$0x0], $0xffff  }
0x7f: {  	vm4 =	vgt.f32 v33, v46;
	v32 =	vadd.s32 v10, v63;
	v56 =	vsel vm2, v55, v28;
	v59 =	vld.idx.msk [tilespmem:v52+s8+$0x0], $0xffff  }
0x80: {  	v53 =	vand.u32 $0x7FFFFFFF, v38;
	v15 =	vand.u32 $0x7FFFFFFF, v15;
	v37 =	vld.idx.msk [tilespmem:v48+s8+$0x0], $0xffff;
	v60 =	vadd.s32 v7, v56  }
0x81: {  	vm14 =	veq.f32 v15, v53;
	vm5 =	vlt.f32 v15, v53;
	v63 =	vadd.s32 $0x40, v24;
	v57 =	vld.idx.msk [tilespmem:v50+s8+$0x0], $0xffff  }
0x82: {  	v35 =	vld.idx.msk [tilespmem:v23+s8+$0x0], $0xffff;
	v45 =	vadd.s32 $0x10, v29;
	v61 =	vadd.s32 $0x20, v25;
	v44 =	vor.u32 $0x200, v31  }
0x83: {  	v51 =	vor.u32 $0x800, v41;
	v46 =	vor.u32 $0x400, v34;
	v62 =	vld.idx.msk [tilespmem:v54+s8+$0x0], $0xffff;
	vm11 =	vlt.f32 v30, v19  }
0x84: {  	v40 =	vld.idx.msk [tilespmem:v32+s8+$0x0], $0xffff;
	vm7 =	vlt.f32 v26, v17;
	vm9 =	vlt.f32 v59, v11;
	v30 =	vsel vm11, v51, v41  }
0x85: {  	vm6 =	vlt.f32 v37, v14;
	v24 =	vsel vm7, v63, v24;
	v33 =	vld.idx.msk [tilespmem:v60+s8+$0x0], $0xffff;
	v54 =	vor.u32 v4, v30  }
0x86: {  	v32 =	vld.idx.msk [tilespmem:v32+s10+$0x0], $0xffff;
	vm8 =	vlt.f32 v57, v18;
	v25 =	vsel vm6, v61, v25;
	v26 =	vadd.s32 v9, v24  }
0x87: {  	v52 =	vld.idx.msk [tilespmem:v23+s10+$0x0], $0xffff;
	v15 =	vsel vm9, v45, v29;
	v28 =	vsel vm8, v44, v31;
	v43 =	vadd.s32 v0, v25  }
0x88: {  	v23 =	vld [tilespmem:s15+$0xFFFFFFD0];
	vm10 =	vlt.f32 v62, v20;
	v48 =	vmax.u32 v15, $0x10;
	v31 =	vadd.s32 v6, v28  }
0x89: {  	vm0 =	vmand vm14, vm4;
	v47 =	vsel vm10, v46, v34;
	v34 =	vadd.s32 v10, v48  }
0x8a: {  	v42 =	vsub.f32 v12, v40;
	v12 =	vsub.f32 v35, v12;
	vm12 =	vlt.f32 v33, v16;
	v33 =	vld.idx.msk [tilespmem:v54+s8+$0x0], $0xffff  }
0x8b: {  	vm0 =	vmor vm5, vm0;
	v53 =	vadd.s32 $0x80, v56;
	v50 =	vor.u32 v5, v47;
	v26 =	vld.idx.msk [tilespmem:v26+s8+$0x0], $0xffff  }
0x8c: {  	v12 =	vand.u32 $0x7FFFFFFF, v12;
	vm4 =	vgt.f32 v52, v32;
	v37 =	vand.u32 $0x7FFFFFFF, v42;
	v49 =	vld.idx.msk [tilespmem:v43+s8+$0x0], $0xffff  }
0x8d: {  	vm9 =	vlt.f32 v13, v23;
	vm13 =	vlt.f32 v12, v37;
	v27 =	vsel vm12, v53, v56;
	v31 =	vld.idx.msk [tilespmem:v31+s8+$0x0], $0xffff  }
0x8e: {  	vm14 =	veq.f32 v12, v37;
	v15 =	vadd.s32 v0, v15;
	v55 =	vadd.s32 v8, v27;
	v32 =	vld.idx.msk [tilespmem:v34+s8+$0x0], $0xffff  }
0x8f: {  	v58 =	vadd.s32 $0x20, v24;
	v41 =	vsel vm9, $0x1000, v2;
	v60 =	vadd.s32 $0x100, v28  }
0x90: {  	vm2 =	vmand vm14, vm4;
	v42 =	vor.u32 v3, v41;
	v62 =	vor.u32 $0x200, v47;
	v57 =	vld.idx.msk [tilespmem:v50+s8+$0x0], $0xffff  }
0x91: {  	v56 =	vadd.s32 $0x10, v25;
	vm12 =	vmor vm13, vm2;
	v48 =	vadd.s32 $0x40, v27  }
0x92: {  	v34 =	vld.idx.msk [tilespmem:v34+s10+$0x0], $0xffff;
	vm10 =	vlt.f32 v33, v19;
	vm15 =	vlt.f32 v26, v17;
	vm3 =	vlt.f32 v49, v14  }
0x93: {  	v24 =	vsel vm15, v58, v24;
	vm7 =	vlt.f32 v31, v18;
	v12 =	vld.idx.msk [tilespmem:v55+s8+$0x0], $0xffff;
	v63 =	vsub.f32 v11, v32  }
0x94: {  	v31 =	vld.idx.msk [tilespmem:v15+s8+$0x0], $0xffff;
	v25 =	vsel vm3, v56, v25;
	v26 =	vadd.s32 v0, v24;
	v28 =	vsel vm7, v60, v28  }
0x95: {  	v55 =	vld.idx.msk [tilespmem:v42+s8+$0x0], $0xffff;
	vm8 =	vlt.f32 v57, v20;
	v54 =	vadd.s32 $0x10, v24;
	v61 =	vadd.s32 v7, v28  }
0x96: {  	v15 =	vld.idx.msk [tilespmem:v15+s10+$0x0], $0xffff;
	v59 =	vmax.u32 v25, $0x10;
	v39 =	vadd.s32 v0, v25;
	v29 =	vsel vm8, v62, v47  }
0x97: {  	v47 =	vor.u32 $0x400, v30;
	v51 =	vand.u32 $0x7FFFFFFF, v63;
	v58 =	vadd.s32 $0x80, v28  }
0x98: {  	v25 =	vld [tilespmem:s15+$0xFFFFFFE0];
	v37 =	vadd.s32 v10, v59;
	v36 =	vadd.s32 v6, v29;
	v30 =	vsel vm10, v47, v30  }
0x99: {  	v60 =	vadd.s32 $0x100, v29;
	v44 =	vor.u32 v5, v30;
	vm11 =	vlt.f32 v12, v16;
	v26 =	vld.idx.msk [tilespmem:v26+s8+$0x0], $0xffff  }
0x9a: {  	v49 =	vsub.f32 v31, v11;
	v12 =	vsel vm0, v22, v21;
	v11 =	vsel vm12, v35, v40;
	v38 =	vld.idx.msk [tilespmem:v61+s8+$0x0], $0xffff  }
0x9b: {  	vm6 =	vlt.f32 v55, v23;
	vm10 =	vgt.f32 v15, v34;
	v27 =	vsel vm11, v48, v27;
	v45 =	vld.idx.msk [tilespmem:v39+s8+$0x0], $0xffff  }
0x9c: {  	v50 =	vadd.s32 v9, v27;
	v52 =	vand.u32 $0x7FFFFFFF, v49;
	v61 =	vor.u32 $0x800, v41;
	v39 =	vld.idx.msk [tilespmem:v39+s10+$0x0], $0xffff  }
0x9d: {  	v47 =	vadd.s32 $0x20, v27;
	vm9 =	vlt.f32 v13, v25;
	v43 =	vld.idx.msk [tilespmem:v37+s8+$0x0], $0xffff;
	vm13 =	vlt.f32 v52, v51  }
0x9e: {  	v53 =	vld.idx.msk [tilespmem:v36+s8+$0x0], $0xffff;
	vm15 =	veq.f32 v52, v51;
	v33 =	vsel vm6, v61, v41;
	v49 =	vsel vm9, $0x1000, v2  }
0x9f: {  	v59 =	vld.idx.msk [tilespmem:v44+s8+$0x0], $0xffff;
	v44 =	vor.u32 $0x200, v30;
	v46 =	vor.u32 v4, v33;
	vm1 =	vmand vm15, vm10  }
0xa0: {  	v62 =	vld.idx.msk [tilespmem:v37+s10+$0x0], $0xffff;
	v51 =	vor.u32 v3, v49;
	vm0 =	vmor vm13, vm1;
	vm14 =	vlt.f32 v26, v17  }
0xa1: {  	v15 =	vsel vm0, v31, v32;
	v24 =	vsel vm14, v54, v24;
	vm4 =	vlt.f32 v38, v18;
	v21 =	vld.idx.msk [tilespmem:v50+s8+$0x0], $0xffff  }
0xa2: {  	v56 =	vsub.f32 v14, v43;
	v26 =	vsel vm4, v58, v28;
	v37 =	vadd.s32 v0, v24  }
0xa3: {  	v57 =	vmax.u32 v24, $0x10;
	vm5 =	vlt.f32 v53, v20;
	v28 =	vadd.s32 v8, v26  }
0xa4: {  	v38 =	vadd.s32 v10, v57;
	v29 =	vsel vm5, v60, v29;
	vm7 =	vlt.f32 v59, v19  }
0xa5: {  	v14 =	vsub.f32 v45, v14;
	v52 =	vld.idx.msk [tilespmem:v46+s8+$0x0], $0xffff;
	v63 =	vadd.s32 v7, v29;
	v30 =	vsel vm7, v44, v30  }
0xa6: {  	vm12 =	vgt.f32 v39, v62;
	v57 =	vld.idx.msk [tilespmem:v51+s8+$0x0], $0xffff;
	v36 =	vadd.s32 v6, v30;
	vm8 =	vlt.f32 v21, v16  }
0xa7: {  	v50 =	vand.u32 $0x7FFFFFFF, v56;
	v14 =	vand.u32 $0x7FFFFFFF, v14;
	v27 =	vsel vm8, v47, v27;
	v22 =	vld.idx.msk [tilespmem:v37+s8+$0x0], $0xffff  }
0xa8: {  	v58 =	vor.u32 $0x400, v33;
	vm11 =	veq.f32 v14, v50;
	v28 =	vld.idx.msk [tilespmem:v28+s8+$0x0], $0xffff;
	v48 =	vadd.s32 v0, v27  }
0xa9: {  	v53 =	vadd.s32 $0x40, v26;
	vm13 =	vlt.f32 v14, v50;
	vm2 =	vmand vm11, vm12;
	v21 =	vld.idx.msk [tilespmem:v38+s8+$0x0], $0xffff  }
0xaa: {  	v46 =	vor.u32 $0x800, v49;
	v56 =	vadd.s32 $0x80, v29;
	vm1 =	vmor vm13, vm2;
	v24 =	vld.idx.msk [tilespmem:v63+s8+$0x0], $0xffff  }
0xab: {  	v61 =	vadd.s32 $0x100, v30;
	v14 =	vsel vm1, v45, v43;
	vm4 =	vlt.f32 v52, v23;
	v36 =	vld.idx.msk [tilespmem:v36+s8+$0x0], $0xffff  }
0xac: {  	vm7 =	vlt.f32 v57, v25;
	v47 =	vadd.s32 $0x10, v27;
	v33 =	vsel vm4, v58, v33  }
0xad: {  	v34 =	vsel vm7, v46, v49;
	v62 =	vor.u32 v5, v33;
	vm14 =	vlt.f32 v28, v18;
	v54 =	vld.idx.msk [tilespmem:v48+s8+$0x0], $0xffff  }
0xae: {  	v57 =	vor.u32 $0x200, v33;
	v59 =	vsub.f32 v17, v21;
	v28 =	vsel vm14, v53, v26;
	v26 =	vld [tilespmem:s15+$0xFFFFFFF0]  }
0xaf: {  	v17 =	vsub.f32 v22, v17;
	v48 =	vor.u32 v4, v34;
	vm15 =	vlt.f32 v24, v20;
	v24 =	vld [tilespmem:s15+$0x0]  }
0xb0: {  	v37 =	vld.idx.msk [tilespmem:v37+s10+$0x0], $0xffff;
	v55 =	vadd.s32 v9, v28;
	v29 =	vsel vm15, v56, v29;
	vm5 =	vlt.f32 v36, v19  }
0xb1: {  	v38 =	vld.idx.msk [tilespmem:v38+s10+$0x0], $0xffff;
	v35 =	vand.u32 $0x7FFFFFFF, v59;
	v17 =	vand.u32 $0x7FFFFFFF, v17;
	v60 =	vadd.s32 v8, v29  }
0xb2: {  	v30 =	vsel vm5, v61, v30;
	vm10 =	vlt.f32 v17, v35;
	vm11 =	veq.f32 v17, v35  }
0xb3: {  	v36 =	vld.idx.msk [tilespmem:v62+s8+$0x0], $0xffff;
	v63 =	vadd.s32 v7, v30;
	vm6 =	vlt.f32 v54, v16;
	vm8 =	vlt.f32 v13, v26  }
0xb4: {  	v54 =	vadd.s32 $0x20, v28;
	v56 =	vld.idx.msk [tilespmem:v48+s8+$0x0], $0xffff;
	vm9 =	vlt.f32 v13, v24;
	v41 =	vsel vm8, $0x1000, v2  }
0xb5: {  	v27 =	vsel vm6, v47, v27;
	v32 =	vld.idx.msk [tilespmem:v55+s8+$0x0], $0xffff;
	v52 =	vsel vm9, $0x1000, v2;
	v50 =	vor.u32 v3, v41  }
0xb6: {  	vm6 =	vgt.f32 v37, v38;
	v47 =	vor.u32 $0x400, v34;
	v39 =	vld.idx.msk [tilespmem:v60+s8+$0x0], $0xffff;
	v53 =	vor.u32 v3, v52  }
0xb7: {  	v49 =	vmax.u32 v27, $0x10;
	v44 =	vadd.s32 v0, v27;
	v55 =	vadd.s32 $0x40, v29;
	v27 =	vld [tilespmem:s15+$0x10]  }
0xb8: {  	vm14 =	vlt.f32 v36, v23;
	vm1 =	vmand vm11, vm6;
	v42 =	vadd.s32 v10, v49  }
0xb9: {  	v33 =	vsel vm14, v57, v33;
	v60 =	vadd.s32 $0x80, v30;
	v51 =	vld.idx.msk [tilespmem:v63+s8+$0x0], $0xffff;
	vm7 =	vlt.f32 v56, v25  }
0xba: {  	v48 =	vor.u32 $0x800, v41;
	v61 =	vadd.s32 v6, v33;
	v34 =	vsel vm7, v47, v34;
	v58 =	vld.idx.msk [tilespmem:v50+s8+$0x0], $0xffff  }
0xbb: {  	vm12 =	vlt.f32 v32, v18;
	vm13 =	vlt.f32 v39, v20;
	v17 =	vld.idx.msk [tilespmem:v53+s8+$0x0], $0xffff;
	v39 =	vor.u32 v5, v34  }
0xbc: {  	vm0 =	vmor vm10, vm1;
	v35 =	vld.idx.msk [tilespmem:v44+s8+$0x0], $0xffff;
	vm10 =	vlt.f32 v13, v27;
	v28 =	vsel vm12, v54, v28  }
0xbd: {  	v40 =	vld.idx.msk [tilespmem:v42+s8+$0x0], $0xffff;
	v46 =	vsel vm10, $0x1000, v2;
	v29 =	vsel vm13, v55, v29;
	v62 =	vadd.s32 v0, v28  }
0xbe: {  	v42 =	vld.idx.msk [tilespmem:v42+s10+$0x0], $0xffff;
	vm15 =	vlt.f32 v51, v19;
	v51 =	vor.u32 $0x800, v52;
	v59 =	vadd.s32 v9, v29  }
0xbf: {  	v43 =	vld.idx.msk [tilespmem:v61+s8+$0x0], $0xffff;
	v47 =	vor.u32 v3, v46;
	v30 =	vsel vm15, v60, v30;
	vm8 =	vlt.f32 v58, v26  }
0xc0: {  	v63 =	vadd.s32 v8, v30;
	vm9 =	vlt.f32 v17, v24;
	v39 =	vld.idx.msk [tilespmem:v39+s8+$0x0], $0xffff;
	v36 =	vsel vm8, v48, v41  }
0xc1: {  	v58 =	vld.idx.msk [tilespmem:v44+s10+$0x0], $0xffff;
	v17 =	vsel vm9, v51, v52;
	v50 =	vor.u32 v4, v36  }
0xc2: {  	v52 =	vld.idx.msk [tilespmem:v62+s8+$0x0], $0xffff;
	v53 =	vor.u32 v4, v17  }
0xc3: {  	v55 =	vadd.s32 $0x100, v33;
	v49 =	vsub.f32 v16, v40;
	v16 =	vsub.f32 v35, v16;
	v32 =	vld.idx.msk [tilespmem:v59+s8+$0x0], $0xffff  }
0xc4: {  	v61 =	vadd.s32 $0x10, v28;
	v54 =	vadd.s32 $0x20, v29;
	vm12 =	vlt.f32 v43, v23;
	v47 =	vld.idx.msk [tilespmem:v47+s8+$0x0], $0xffff  }
0xc5: {  	v62 =	vor.u32 $0x200, v34;
	v41 =	vand.u32 $0x7FFFFFFF, v49;
	v16 =	vand.u32 $0x7FFFFFFF, v16;
	v38 =	vld.idx.msk [tilespmem:v63+s8+$0x0], $0xffff  }
0xc6: {  	vm13 =	veq.f32 v16, v41;
	v63 =	vor.u32 $0x400, v36;
	vm4 =	vlt.f32 v39, v25;
	v56 =	vld.idx.msk [tilespmem:v50+s8+$0x0], $0xffff  }
0xc7: {  	vm6 =	vgt.f32 v58, v42;
	vm15 =	vlt.f32 v52, v18;
	v34 =	vsel vm4, v62, v34;
	v37 =	vld.idx.msk [tilespmem:v53+s8+$0x0], $0xffff  }
0xc8: {  	vm11 =	vlt.f32 v32, v20;
	v32 =	vsel vm12, v55, v33;
	v49 =	vadd.s32 v6, v34  }
0xc9: {  	vm8 =	vlt.f32 v47, v27;
	v29 =	vsel vm11, v54, v29;
	v60 =	vadd.s32 v7, v32  }
0xca: {  	vm1 =	vmand vm13, vm6;
	v28 =	vsel vm15, v61, v28;
	v57 =	vadd.s32 v0, v29  }
0xcb: {  	v50 =	vmax.u32 v28, $0x10;
	v28 =	vadd.s32 v0, v28;
	vm5 =	vlt.f32 v56, v26  }
0xcc: {  	v53 =	vor.u32 $0x400, v17;
	vm7 =	vlt.f32 v37, v24;
	v36 =	vsel vm5, v63, v36  }
0xcd: {  	v54 =	vor.u32 $0x800, v46;
	v56 =	vld.idx.msk [tilespmem:v49+s8+$0x0], $0xffff;
	v37 =	vsel vm7, v53, v17;
	v52 =	vor.u32 v5, v36  }
0xce: {  	vm11 =	vlt.f32 v16, v41;
	v45 =	vsel vm8, v54, v46;
	v51 =	vld.idx.msk [tilespmem:v60+s8+$0x0], $0xffff;
	v55 =	vor.u32 v5, v37  }
0xcf: {  	v59 =	vadd.s32 $0x40, v30;
	vm1 =	vmor vm11, vm1;
	v48 =	vld.idx.msk [tilespmem:v57+s8+$0x0], $0xffff;
	v57 =	vor.u32 v4, v45  }
0xd0: {  	vm14 =	vlt.f32 v38, v19;
	v33 =	vadd.s32 v10, v50;
	v16 =	vsel vm1, v35, v40;
	v35 =	vld.idx.msk [tilespmem:v28+s8+$0x0], $0xffff  }
0xd1: {  	v30 =	vsel vm14, v59, v30;
	v54 =	vld.idx.msk [tilespmem:v28+s10+$0x0], $0xffff  }
0xd2: {  	v62 =	vadd.s32 $0x100, v34;
	v38 =	vadd.s32 v9, v30;
	v42 =	vld.idx.msk [tilespmem:v52+s8+$0x0], $0xffff  }
0xd3: {  	v58 =	vadd.s32 $0x10, v29;
	v59 =	vadd.s32 $0x80, v32;
	v17 =	vsel vm0, v22, v21;
	v61 =	vld.idx.msk [tilespmem:v55+s8+$0x0], $0xffff  }
0xd4: {  	v44 =	vor.u32 $0x200, v36;
	v53 =	vor.u32 $0x200, v37;
	vm13 =	vlt.f32 v56, v25;
	v63 =	vld.idx.msk [tilespmem:v57+s8+$0x0], $0xffff  }
0xd5: {  	v39 =	vld.idx.msk [tilespmem:v33+s8+$0x0], $0xffff;
	vm10 =	vlt.f32 v51, v23;
	v34 =	vsel vm13, v62, v34;
	vm9 =	vlt.f32 v48, v20  }
0xd6: {  	v33 =	vld.idx.msk [tilespmem:v33+s10+$0x0], $0xffff;
	v32 =	vsel vm10, v59, v32;
	v48 =	vadd.s32 v7, v34;
	v55 =	vor.u32 $0x400, v45  }
0xd7: {  	v38 =	vld.idx.msk [tilespmem:v38+s8+$0x0], $0xffff;
	v41 =	vsel vm9, v58, v29;
	v60 =	vadd.s32 v8, v32;
	vm14 =	vlt.f32 v42, v26  }
0xd8: {  	v29 =	vmax.u32 v41, $0x10;
	vm15 =	vlt.f32 v61, v24;
	v36 =	vsel vm14, v44, v36  }
0xd9: {  	vm4 =	vlt.f32 v63, v27;
	v37 =	vsel vm15, v53, v37;
	v51 =	vadd.s32 v6, v36  }
0xda: {  	v22 =	vadd.s32 v10, v29;
	v29 =	vld [tilespmem:s15+$0x20];
	v45 =	vsel vm4, v55, v45;
	v57 =	vadd.s32 v6, v37  }
0xdb: {  	v49 =	vsub.f32 v18, v39;
	v18 =	vsub.f32 v35, v18;
	v59 =	vor.u32 v5, v45  }
0xdc: {  	v47 =	vadd.s32 $0x20, v30;
	vm8 =	vgt.f32 v54, v33;
	vm12 =	vlt.f32 v38, v19;
	v50 =	vld.idx.msk [tilespmem:v60+s8+$0x0], $0xffff  }
0xdd: {  	v30 =	vsel vm12, v47, v30;
	v56 =	vand.u32 $0x7FFFFFFF, v49;
	v18 =	vand.u32 $0x7FFFFFFF, v18;
	v58 =	vld.idx.msk [tilespmem:v48+s8+$0x0], $0xffff  }
0xde: {  	v31 =	vadd.s32 v0, v41;
	v52 =	vadd.s32 v0, v30;
	vm7 =	veq.f32 v18, v56;
	v43 =	vld.idx.msk [tilespmem:v51+s8+$0x0], $0xffff  }
0xdf: {  	vm9 =	vlt.f32 v18, v56;
	vm0 =	vmand vm7, vm8;
	vm5 =	vlt.f32 v13, v29;
	v46 =	vld.idx.msk [tilespmem:v57+s8+$0x0], $0xffff  }
0xe0: {  	v49 =	vadd.s32 $0x80, v34;
	vm0 =	vmor vm9, vm0;
	v47 =	vsel vm5, $0x1000, v2;
	v40 =	vld.idx.msk [tilespmem:v59+s8+$0x0], $0xffff  }
0xe1: {  	v60 =	vadd.s32 $0x40, v32;
	v61 =	vor.u32 v3, v47;
	vm6 =	vlt.f32 v50, v23  }
0xe2: {  	v21 =	vld [tilespmem:s15+$0x30];
	v55 =	vadd.s32 $0x100, v37;
	vm10 =	vlt.f32 v58, v25;
	v32 =	vsel vm6, v60, v32  }
0xe3: {  	v56 =	vor.u32 $0x200, v45;
	v28 =	vld.idx.msk [tilespmem:v22+s8+$0x0], $0xffff;
	v34 =	vsel vm10, v49, v34;
	v63 =	vadd.s32 v9, v32  }
0xe4: {  	v62 =	vld.idx.msk [tilespmem:v52+s8+$0x0], $0xffff;
	v50 =	vadd.s32 $0x100, v36;
	v51 =	vadd.s32 v8, v34;
	vm11 =	vlt.f32 v43, v26  }
0xe5: {  	vm13 =	vlt.f32 v46, v24;
	vm14 =	vlt.f32 v40, v27;
	v36 =	vsel vm11, v50, v36  }
0xe6: {  	v38 =	vld.idx.msk [tilespmem:v61+s8+$0x0], $0xffff;
	v33 =	vsel vm13, v55, v37;
	v37 =	vsel vm14, v56, v45;
	v54 =	vadd.s32 v7, v36  }
0xe7: {  	v18 =	vsel vm0, v35, v39;
	v22 =	vld.idx.msk [tilespmem:v22+s10+$0x0], $0xffff;
	v45 =	vadd.s32 v6, v37  }
0xe8: {  	vm5 =	vlt.f32 v13, v21;
	v57 =	vadd.s32 $0x10, v30;
	v48 =	vsub.f32 v20, v28;
	v53 =	vld.idx.msk [tilespmem:v63+s8+$0x0], $0xffff  }
0xe9: {  	v59 =	vor.u32 $0x800, v47;
	vm12 =	vlt.f32 v62, v19;
	v60 =	vadd.s32 $0x20, v32;
	v40 =	vld.idx.msk [tilespmem:v31+s8+$0x0], $0xffff  }
0xea: {  	v30 =	vsel vm12, v57, v30;
	v52 =	vand.u32 $0x7FFFFFFF, v48;
	v43 =	vld.idx.msk [tilespmem:v51+s8+$0x0], $0xffff;
	v58 =	vadd.s32 v7, v33  }
0xeb: {  	v46 =	vsel vm5, $0x1000, v2;
	v63 =	vmax.u32 v30, $0x10;
	vm15 =	vlt.f32 v38, v29;
	v42 =	vld.idx.msk [tilespmem:v54+s8+$0x0], $0xffff  }
0xec: {  	v48 =	vor.u32 v3, v46;
	v50 =	vadd.s32 $0x40, v34;
	v38 =	vsel vm15, v59, v47;
	v45 =	vld.idx.msk [tilespmem:v45+s8+$0x0], $0xffff  }
0xed: {  	v31 =	vld.idx.msk [tilespmem:v31+s10+$0x0], $0xffff;
	v30 =	vadd.s32 v0, v30;
	v61 =	vor.u32 v4, v38;
	vm4 =	vlt.f32 v53, v23  }
0xee: {  	v51 =	vadd.s32 $0x80, v36;
	v47 =	vadd.s32 v10, v63;
	v32 =	vsel vm4, v60, v32  }
0xef: {  	v56 =	vadd.s32 $0x100, v37;
	vm6 =	vlt.f32 v43, v25;
	v44 =	vld.idx.msk [tilespmem:v58+s8+$0x0], $0xffff;
	v62 =	vadd.s32 v0, v32  }
0xf0: {  	v20 =	vsub.f32 v40, v20;
	v34 =	vsel vm6, v50, v34;
	vm7 =	vlt.f32 v42, v26  }
0xf1: {  	v55 =	vld.idx.msk [tilespmem:v48+s8+$0x0], $0xffff;
	v43 =	vadd.s32 v9, v34;
	vm11 =	vlt.f32 v45, v27;
	v36 =	vsel vm7, v51, v36  }
0xf2: {  	vm12 =	vgt.f32 v31, v22;
	v39 =	vld.idx.msk [tilespmem:v61+s8+$0x0], $0xffff;
	v37 =	vsel vm11, v56, v37;
	v53 =	vadd.s32 v8, v36  }
0xf3: {  	v20 =	vand.u32 $0x7FFFFFFF, v20;
	v54 =	vadd.s32 $0x80, v33;
	v31 =	vld.idx.msk [tilespmem:v47+s8+$0x0], $0xffff;
	v59 =	vadd.s32 v7, v37  }
0xf4: {  	vm8 =	vlt.f32 v20, v52;
	vm9 =	veq.f32 v20, v52;
	vm10 =	vlt.f32 v44, v24;
	v52 =	vld.idx.msk [tilespmem:v62+s8+$0x0], $0xffff  }
0xf5: {  	v60 =	vor.u32 $0x400, v38;
	vm1 =	vmand vm9, vm12;
	v47 =	vld.idx.msk [tilespmem:v47+s10+$0x0], $0xffff;
	v33 =	vsel vm10, v54, v33  }
0xf6: {  	v61 =	vadd.s32 $0x10, v32;
	vm0 =	vmor vm8, vm1;
	v58 =	vld.idx.msk [tilespmem:v43+s8+$0x0], $0xffff;
	v57 =	vadd.s32 v8, v33  }
0xf7: {  	vm15 =	vlt.f32 v55, v21;
	v62 =	vor.u32 $0x800, v46;
	vm13 =	vlt.f32 v39, v29;
	v35 =	vld.idx.msk [tilespmem:v53+s8+$0x0], $0xffff  }
0xf8: {  	v51 =	vadd.s32 $0x20, v34;
	v63 =	vsel vm15, v62, v46;
	v38 =	vsel vm13, v60, v38;
	v43 =	vld.idx.msk [tilespmem:v59+s8+$0x0], $0xffff  }
0xf9: {  	v44 =	vld.idx.msk [tilespmem:v30+s8+$0x0], $0xffff;
	v49 =	vsub.f32 v19, v31;
	v39 =	vor.u32 v5, v38;
	vm14 =	vlt.f32 v52, v23  }
0xfa: {  	v54 =	vld.idx.msk [tilespmem:v30+s10+$0x0], $0xffff;
	v56 =	vadd.s32 $0x40, v33;
	v46 =	vor.u32 v4, v63;
	v20 =	vsel vm14, v61, v32  }
0xfb: {  	v42 =	vand.u32 $0x7FFFFFFF, v49;
	vm4 =	vlt.f32 v58, v25;
	v22 =	vld.idx.msk [tilespmem:v57+s8+$0x0], $0xffff;
	v50 =	vmax.u32 v20, $0x10  }
0xfc: {  	v52 =	vadd.s32 $0x40, v36;
	v45 =	vadd.s32 v10, v50;
	vm5 =	vlt.f32 v35, v26  }
0xfd: {  	v57 =	vadd.s32 $0x80, v37;
	vm7 =	vlt.f32 v43, v27;
	v35 =	vsel vm5, v52, v36  }
0xfe: {  	v19 =	vsub.f32 v44, v19;
	v53 =	vld.idx.msk [tilespmem:v39+s8+$0x0], $0xffff;
	v37 =	vsel vm7, v57, v37;
	v55 =	vadd.s32 v9, v35  }
0xff: {  	v34 =	vsel vm4, v51, v34;
	vm11 =	vgt.f32 v54, v47;
	v46 =	vld.idx.msk [tilespmem:v46+s8+$0x0], $0xffff;
	v50 =	vadd.s32 v8, v37  }
0x100: {  	v41 =	vadd.s32 v0, v34;
	v58 =	vand.u32 $0x7FFFFFFF, v19;
	vm6 =	vlt.f32 v22, v24;
	v22 =	vld [tilespmem:s15+$0x40]  }
0x101: {  	v59 =	vor.u32 $0x200, v38;
	v20 =	vadd.s32 v0, v20;
	v33 =	vsel vm6, v56, v33;
	v30 =	vld.idx.msk [tilespmem:v45+s8+$0x0], $0xffff  }
0x102: {  	v19 =	vsel vm0, v40, v28;
	v61 =	vor.u32 $0x400, v63;
	v49 =	vadd.s32 v9, v33  }
0x103: {  	vm0 =	vlt.f32 v58, v42;
	vm10 =	veq.f32 v58, v42;
	vm8 =	vlt.f32 v53, v29;
	v60 =	vld.idx.msk [tilespmem:v55+s8+$0x0], $0xffff  }
0x104: {  	vm14 =	vmand vm10, vm11;
	vm9 =	vlt.f32 v46, v21;
	v36 =	vsel vm8, v59, v38;
	v54 =	vld.idx.msk [tilespmem:v50+s8+$0x0], $0xffff  }
0x105: {  	v41 =	vld.idx.msk [tilespmem:v41+s8+$0x0], $0xffff;
	v32 =	vsel vm9, v61, v63;
	v38 =	vadd.s32 v6, v36;
	vm12 =	vlt.f32 v13, v22  }
0x106: {  	v39 =	vld.idx.msk [tilespmem:v20+s8+$0x0], $0xffff;
	v52 =	vor.u32 v5, v32;
	v47 =	vsel vm12, $0x1000, v2;
	v62 =	vsub.f32 v23, v30  }
0x107: {  	vm0 =	vmor vm0, vm14;
	v53 =	vadd.s32 $0x10, v34;
	v63 =	vld.idx.msk [tilespmem:v49+s8+$0x0], $0xffff;
	v56 =	vor.u32 v3, v47  }
0x108: {  	v20 =	vld.idx.msk [tilespmem:v20+s10+$0x0], $0xffff;
	v55 =	vadd.s32 $0x20, v35;
	v40 =	vand.u32 $0x7FFFFFFF, v62;
	vm5 =	vlt.f32 v60, v26  }
0x109: {  	v58 =	vld.idx.msk [tilespmem:v45+s10+$0x0], $0xffff;
	v62 =	vadd.s32 $0x40, v37;
	vm6 =	vlt.f32 v54, v27;
	v28 =	vsel vm5, v55, v35  }
0x10a: {  	vm13 =	vlt.f32 v41, v25;
	v57 =	vld.idx.msk [tilespmem:v38+s8+$0x0], $0xffff;
	v37 =	vsel vm6, v62, v37;
	v59 =	vadd.s32 v0, v28  }
0x10b: {  	v61 =	vadd.s32 $0x20, v33;
	v34 =	vsel vm13, v53, v34;
	v60 =	vld.idx.msk [tilespmem:v52+s8+$0x0], $0xffff;
	v46 =	vadd.s32 v9, v37  }
0x10c: {  	v41 =	vmax.u32 v34, $0x10;
	v34 =	vadd.s32 v0, v34;
	vm15 =	vlt.f32 v63, v24;
	v63 =	vld.idx.msk [tilespmem:v56+s8+$0x0], $0xffff  }
0x10d: {  	v23 =	vsub.f32 v39, v23;
	v41 =	vadd.s32 v10, v41;
	v33 =	vsel vm15, v61, v33  }
0x10e: {  	vm10 =	vgt.f32 v20, v58;
	v20 =	vsel vm0, v44, v31;
	v53 =	vadd.s32 v0, v33  }
0x10f: {  	v52 =	vadd.s32 $0x100, v36;
	v56 =	vor.u32 $0x800, v47;
	vm7 =	vlt.f32 v57, v29;
	v45 =	vld.idx.msk [tilespmem:v59+s8+$0x0], $0xffff  }
0x110: {  	v55 =	vor.u32 $0x200, v32;
	v35 =	vsel vm7, v52, v36;
	vm8 =	vlt.f32 v60, v21;
	v57 =	vld.idx.msk [tilespmem:v46+s8+$0x0], $0xffff  }
0x111: {  	v38 =	vld.idx.msk [tilespmem:v34+s8+$0x0], $0xffff;
	v54 =	vadd.s32 v7, v35;
	vm11 =	vlt.f32 v63, v22;
	v32 =	vsel vm8, v55, v32  }
0x112: {  	v23 =	vand.u32 $0x7FFFFFFF, v23;
	v36 =	vld.idx.msk [tilespmem:v41+s8+$0x0], $0xffff;
	v42 =	vadd.s32 v6, v32;
	v46 =	vsel vm11, v56, v47  }
0x113: {  	vm9 =	veq.f32 v23, v40;
	vm14 =	vlt.f32 v23, v40;
	v59 =	vld.idx.msk [tilespmem:v53+s8+$0x0], $0xffff;
	v47 =	vor.u32 v4, v46  }
0x114: {  	vm12 =	vmand vm9, vm10;
	v34 =	vld.idx.msk [tilespmem:v34+s10+$0x0], $0xffff;
	v58 =	vadd.s32 $0x10, v28;
	vm13 =	vlt.f32 v45, v26  }
0x115: {  	v50 =	vadd.s32 $0x20, v37;
	v41 =	vld.idx.msk [tilespmem:v41+s10+$0x0], $0xffff;
	vm4 =	vlt.f32 v57, v27;
	v28 =	vsel vm13, v58, v28  }
0x116: {  	vm15 =	vmor vm14, vm12;
	v61 =	vld.idx.msk [tilespmem:v54+s8+$0x0], $0xffff;
	v37 =	vsel vm4, v50, v37;
	v63 =	vadd.s32 v0, v28  }
0x117: {  	v51 =	vadd.s32 $0x10, v33;
	v56 =	vadd.s32 $0x100, v32;
	v42 =	vld.idx.msk [tilespmem:v42+s8+$0x0], $0xffff;
	v53 =	vadd.s32 v0, v37  }
0x118: {  	v60 =	vsub.f32 v25, v36;
	vm5 =	vlt.f32 v59, v24;
	v52 =	vld.idx.msk [tilespmem:v47+s8+$0x0], $0xffff;
	v62 =	vmax.u32 v28, $0x10  }
0x119: {  	v25 =	vsub.f32 v38, v25;
	v33 =	vsel vm5, v51, v33;
	v31 =	vadd.s32 v10, v62  }
0x11a: {  	vm12 =	vgt.f32 v34, v41;
	v54 =	vadd.s32 $0x80, v35;
	v28 =	vld [tilespmem:s15+$0x50];
	v57 =	vmax.u32 v33, $0x10  }
0x11b: {  	v23 =	vand.u32 $0x7FFFFFFF, v60;
	vm6 =	vlt.f32 v61, v29;
	v49 =	vadd.s32 v10, v57;
	v48 =	vld.idx.msk [tilespmem:v63+s8+$0x0], $0xffff  }
0x11c: {  	v58 =	vor.u32 $0x400, v46;
	v35 =	vsel vm6, v54, v35;
	vm7 =	vlt.f32 v42, v21;
	v47 =	vld.idx.msk [tilespmem:v53+s8+$0x0], $0xffff  }
0x11d: {  	v55 =	vadd.s32 v8, v35;
	v32 =	vsel vm7, v56, v32;
	vm9 =	vlt.f32 v52, v22;
	v59 =	vld.idx.msk [tilespmem:v63+s10+$0x0], $0xffff  }
0x11e: {  	v25 =	vand.u32 $0x7FFFFFFF, v25;
	v42 =	vadd.s32 v7, v32;
	v45 =	vsel vm9, v58, v46;
	v40 =	vld.idx.msk [tilespmem:v31+s8+$0x0], $0xffff  }
0x11f: {  	vm8 =	vlt.f32 v25, v23;
	vm11 =	veq.f32 v25, v23;
	v31 =	vld.idx.msk [tilespmem:v31+s10+$0x0], $0xffff;
	v60 =	vor.u32 v5, v45  }
0x120: {  	v23 =	vsel vm15, v39, v30;
	v33 =	vadd.s32 v0, v33;
	vm10 =	vlt.f32 v13, v28;
	v39 =	vld.idx.msk [tilespmem:v49+s8+$0x0], $0xffff  }
0x121: {  	vm1 =	vmand vm11, vm12;
	v46 =	vsel vm10, $0x1000, v2;
	v56 =	vld.idx.msk [tilespmem:v49+s10+$0x0], $0xffff  }
0x122: {  	vm13 =	vmor vm8, vm1;
	v52 =	vadd.s32 $0x10, v37;
	v63 =	vor.u32 v3, v46;
	v62 =	vld.idx.msk [tilespmem:v55+s8+$0x0], $0xffff  }
0x123: {  	v58 =	vadd.s32 $0x80, v32;
	v55 =	vadd.s32 $0x40, v35;
	v51 =	vld.idx.msk [tilespmem:v42+s8+$0x0], $0xffff;
	vm14 =	vlt.f32 v47, v27  }
0x124: {  	v61 =	vsub.f32 v26, v40;
	v26 =	vsub.f32 v48, v26;
	v53 =	vsel vm14, v52, v37;
	v54 =	vld.idx.msk [tilespmem:v60+s8+$0x0], $0xffff  }
0x125: {  	vm6 =	vgt.f32 v59, v31;
	v37 =	vld.idx.msk [tilespmem:v33+s8+$0x0], $0xffff;
	v42 =	vmax.u32 v53, $0x10;
	v30 =	vadd.s32 v0, v53  }
0x126: {  	v59 =	vld.idx.msk [tilespmem:v33+s10+$0x0], $0xffff;
	v50 =	vand.u32 $0x7FFFFFFF, v61;
	v26 =	vand.u32 $0x7FFFFFFF, v26;
	v42 =	vadd.s32 v10, v42  }
0x127: {  	v43 =	vld.idx.msk [tilespmem:v63+s8+$0x0], $0xffff;
	vm7 =	vlt.f32 v62, v29;
	v61 =	vor.u32 $0x200, v45;
	v62 =	vsub.f32 v24, v39  }
0x128: {  	vm15 =	veq.f32 v26, v50;
	v41 =	vsel vm7, v55, v35;
	vm9 =	vlt.f32 v26, v50  }
0x129: {  	v33 =	vld [tilespmem:s15+$0x60];
	v50 =	vor.u32 $0x800, v46;
	v57 =	vadd.s32 v9, v41;
	vm8 =	vlt.f32 v51, v21  }
0x12a: {  	v32 =	vsel vm8, v58, v32;
	v63 =	vsub.f32 v37, v24;
	v24 =	vsel vm13, v38, v36;
	v36 =	vld.idx.msk [tilespmem:v30+s8+$0x0], $0xffff  }
0x12b: {  	v34 =	vand.u32 $0x7FFFFFFF, v62;
	vm10 =	vlt.f32 v54, v22;
	v60 =	vadd.s32 v8, v32;
	v35 =	vld.idx.msk [tilespmem:v42+s8+$0x0], $0xffff  }
0x12c: {  	vm14 =	vgt.f32 v59, v56;
	vm11 =	vlt.f32 v43, v28;
	v52 =	vand.u32 $0x7FFFFFFF, v63;
	v59 =	vld.idx.msk [tilespmem:v42+s10+$0x0], $0xffff  }
0x12d: {  	v43 =	vsel vm11, v50, v46;
	vm13 =	veq.f32 v52, v34;
	vm4 =	vlt.f32 v52, v34;
	v34 =	vld [tilespmem:s15+$0x70]  }
0x12e: {  	v45 =	vsel vm10, v61, v45;
	v53 =	vor.u32 v4, v43;
	v52 =	vld.idx.msk [tilespmem:v30+s10+$0x0], $0xffff  }
0x12f: {  	vm2 =	vmand vm15, vm6;
	v31 =	vadd.s32 v6, v45;
	v51 =	vld.idx.msk [tilespmem:v57+s8+$0x0], $0xffff  }
0x130: {  	vm12 =	vmor vm9, vm2;
	vm15 =	vlt.f32 v13, v33;
	v56 =	vadd.s32 $0x20, v41;
	v54 =	vld.idx.msk [tilespmem:v60+s8+$0x0], $0xffff  }
0x131: {  	v26 =	vsel vm12, v48, v40;
	v46 =	vsel vm15, $0x1000, v2;
	vm1 =	vmand vm13, vm14  }
0x132: {  	v61 =	vadd.s32 $0x40, v32;
	v55 =	vor.u32 v3, v46;
	vm5 =	vmor vm4, vm1  }
0x133: {  	v25 =	vsel vm5, v37, v39;
	v57 =	vsub.f32 v27, v35;
	v27 =	vsub.f32 v36, v27;
	v58 =	vld.idx.msk [tilespmem:v53+s8+$0x0], $0xffff  }
0x134: {  	v31 =	vld.idx.msk [tilespmem:v31+s8+$0x0], $0xffff;
	v53 =	vadd.s32 $0x100, v45;
	vm10 =	vlt.f32 v13, v34;
	vm14 =	vgt.f32 v52, v59  }
0x135: {  	vm6 =	vlt.f32 v51, v29;
	v38 =	vand.u32 $0x7FFFFFFF, v57;
	vm7 =	vlt.f32 v54, v21  }
0x136: {  	v27 =	vand.u32 $0x7FFFFFFF, v27;
	v37 =	vsel vm6, v56, v41;
	v44 =	vsel vm7, v61, v32;
	v32 =	vld [tilespmem:s15+$0x80]  }
0x137: {  	v63 =	vld.idx.msk [tilespmem:v55+s8+$0x0], $0xffff;
	v47 =	vsel vm10, $0x1000, v2;
	vm0 =	vlt.f32 v27, v38;
	v60 =	vadd.s32 v0, v37  }
0x138: {  	v30 =	vld [tilespmem:s15+$0xA0];
	v54 =	vor.u32 $0x400, v43;
	v62 =	vadd.s32 v9, v44;
	vm11 =	vlt.f32 v58, v28  }
0x139: {  	v55 =	vor.u32 v3, v47;
	vm9 =	vlt.f32 v31, v22;
	v31 =	vld [tilespmem:s15+$0x90];
	v39 =	vsel vm11, v54, v43  }
0x13a: {  	vm8 =	veq.f32 v27, v38;
	v45 =	vsel vm9, v53, v45;
	v57 =	vor.u32 v5, v39  }
0x13b: {  	v27 =	vld [tilespmem:s15+$0xB0];
	vm1 =	vmand vm8, vm14;
	v56 =	vadd.s32 v7, v45;
	vm12 =	vlt.f32 v13, v32  }
0x13c: {  	vm13 =	vlt.f32 v63, v33;
	v58 =	vor.u32 $0x800, v46;
	v42 =	vld.idx.msk [tilespmem:v60+s8+$0x0], $0xffff;
	v50 =	vsel vm12, $0x1000, v2  }
0x13d: {  	vm7 =	vlt.f32 v13, v30;
	v40 =	vsel vm13, v58, v46;
	v60 =	vld.idx.msk [tilespmem:v62+s8+$0x0], $0xffff;
	v59 =	vor.u32 v3, v50  }
0x13e: {  	v53 =	vsel vm7, $0x1000, v2;
	v51 =	vor.u32 v4, v40;
	vm15 =	vlt.f32 v13, v31;
	v62 =	vld.idx.msk [tilespmem:v55+s8+$0x0], $0xffff  }
0x13f: {  	v61 =	vadd.s32 $0x10, v37;
	v54 =	vor.u32 v3, v53;
	v43 =	vsel vm15, $0x1000, v2;
	v49 =	vld.idx.msk [tilespmem:v57+s8+$0x0], $0xffff  }
0x140: {  	vm8 =	vlt.f32 v13, v27;
	v58 =	vor.u32 $0x200, v39;
	v52 =	vor.u32 v3, v43;
	v48 =	vld.idx.msk [tilespmem:v56+s8+$0x0], $0xffff  }
0x141: {  	v46 =	vsel vm8, $0x1000, v2;
	v56 =	vor.u32 $0x800, v47;
	vm6 =	vlt.f32 v42, v29  }
0x142: {  	v57 =	vor.u32 v3, v46;
	v37 =	vsel vm6, v61, v37;
	v61 =	vor.u32 $0x400, v40;
	v41 =	vld.idx.msk [tilespmem:v59+s8+$0x0], $0xffff  }
0x143: {  	v63 =	vld.idx.msk [tilespmem:v51+s8+$0x0], $0xffff;
	v38 =	vmax.u32 v37, $0x10;
	v13 =	vadd.s32 v0, v37;
	vm10 =	vlt.f32 v62, v34  }
0x144: {  	v38 =	vadd.s32 v10, v38;
	v42 =	vsel vm10, v56, v47;
	vm11 =	vlt.f32 v49, v28  }
0x145: {  	v59 =	vld.idx.msk [tilespmem:v52+s8+$0x0], $0xffff;
	vm12 =	vlt.f32 v48, v22;
	v48 =	vsel vm11, v58, v39;
	v39 =	vor.u32 v4, v42  }
0x146: {  	vm9 =	vlt.f32 v60, v21;
	v56 =	vadd.s32 $0x20, v44;
	v49 =	vadd.s32 v6, v48  }
0x147: {  	v60 =	vor.u32 $0x800, v50;
	v52 =	vld.idx.msk [tilespmem:v54+s8+$0x0], $0xffff;
	v44 =	vsel vm9, v56, v44;
	vm13 =	vlt.f32 v41, v32  }
0x148: {  	vm14 =	vlt.f32 v63, v33;
	v51 =	vld.idx.msk [tilespmem:v57+s8+$0x0], $0xffff;
	v57 =	vadd.s32 v0, v44;
	v41 =	vsel vm13, v60, v50  }
0x149: {  	v62 =	vadd.s32 $0x80, v45;
	v40 =	vsel vm14, v61, v40;
	v37 =	vld.idx.msk [tilespmem:v38+s8+$0x0], $0xffff;
	v63 =	vor.u32 v4, v41  }
0x14a: {  	v55 =	vor.u32 v5, v40;
	vm15 =	vlt.f32 v59, v31;
	v60 =	vor.u32 $0x800, v43;
	v61 =	vld.idx.msk [tilespmem:v39+s8+$0x0], $0xffff  }
0x14b: {  	v45 =	vsel vm12, v62, v45;
	v62 =	vor.u32 $0x800, v53;
	v43 =	vsel vm15, v60, v43;
	v47 =	vld.idx.msk [tilespmem:v49+s8+$0x0], $0xffff  }
0x14c: {  	vm4 =	vlt.f32 v52, v30;
	v52 =	vadd.s32 v8, v45;
	v39 =	vld.idx.msk [tilespmem:v13+s8+$0x0], $0xffff;
	v49 =	vor.u32 v4, v43  }
0x14d: {  	v53 =	vsel vm4, v62, v53;
	vm5 =	vlt.f32 v51, v27;
	v62 =	vadd.s32 $0x100, v48;
	v57 =	vld.idx.msk [tilespmem:v57+s8+$0x0], $0xffff  }
0x14e: {  	v56 =	vor.u32 v4, v53;
	v60 =	vsub.f32 v29, v37;
	v54 =	vld.idx.msk [tilespmem:v63+s8+$0x0], $0xffff;
	v63 =	vor.u32 $0x800, v46  }
0x14f: {  	v55 =	vld.idx.msk [tilespmem:v55+s8+$0x0], $0xffff;
	vm6 =	vlt.f32 v61, v34;
	v61 =	vor.u32 $0x400, v42;
	v46 =	vsel vm5, v63, v46  }
0x150: {  	vm7 =	vlt.f32 v47, v28;
	v42 =	vsel vm6, v61, v42;
	v58 =	vor.u32 v4, v46  }
0x151: {  	vm0 =	vmor vm0, vm1;
	v49 =	vld.idx.msk [tilespmem:v49+s8+$0x0], $0xffff;
	v47 =	vsel vm7, v62, v48;
	v48 =	vor.u32 v5, v42  }
0x152: {  	v51 =	vld.idx.msk [tilespmem:v52+s8+$0x0], $0xffff;
	v50 =	vand.u32 $0x7FFFFFFF, v60;
	v60 =	vor.u32 $0x200, v40;
	v29 =	vsub.f32 v39, v29  }
0x153: {  	v56 =	vld.idx.msk [tilespmem:v56+s8+$0x0], $0xffff;
	v63 =	vor.u32 $0x400, v41;
	v52 =	vadd.s32 v7, v47;
	vm8 =	vlt.f32 v54, v32  }
0x154: {  	vm13 =	vlt.f32 v57, v21;
	vm9 =	vlt.f32 v55, v33;
	v41 =	vsel vm8, v63, v41  }
0x155: {  	v40 =	vsel vm9, v60, v40;
	v62 =	vor.u32 $0x400, v43;
	v54 =	vor.u32 v5, v41;
	v61 =	vld.idx.msk [tilespmem:v58+s8+$0x0], $0xffff  }
0x156: {  	v60 =	vor.u32 $0x400, v53;
	vm10 =	vlt.f32 v49, v31;
	v58 =	vadd.s32 v6, v40;
	v48 =	vld.idx.msk [tilespmem:v48+s8+$0x0], $0xffff  }
0x157: {  	v59 =	vor.u32 $0x200, v42;
	vm11 =	vlt.f32 v51, v22;
	v43 =	vsel vm10, v62, v43  }
0x158: {  	vm12 =	vlt.f32 v56, v30;
	v63 =	vadd.s32 $0x40, v45;
	v49 =	vld.idx.msk [tilespmem:v52+s8+$0x0], $0xffff;
	v52 =	vor.u32 v5, v43  }
0x159: {  	v29 =	vand.u32 $0x7FFFFFFF, v29;
	v51 =	vsel vm12, v60, v53;
	v45 =	vsel vm11, v63, v45  }
0x15a: {  	v53 =	vld.idx.msk [tilespmem:v54+s8+$0x0], $0xffff;
	v54 =	vor.u32 v5, v51;
	vm14 =	vlt.f32 v61, v27;
	v61 =	vor.u32 $0x400, v46  }
0x15b: {  	v63 =	vadd.s32 v9, v45;
	v58 =	vld.idx.msk [tilespmem:v58+s8+$0x0], $0xffff;
	vm15 =	vlt.f32 v48, v34;
	v46 =	vsel vm14, v61, v46  }
0x15c: {  	v60 =	vadd.s32 $0x80, v47;
	v42 =	vsel vm15, v59, v42;
	v55 =	vor.u32 v5, v46  }
0x15d: {  	v62 =	vadd.s32 $0x10, v44;
	vm4 =	vlt.f32 v49, v28;
	v48 =	vld.idx.msk [tilespmem:v52+s8+$0x0], $0xffff;
	v49 =	vadd.s32 v6, v42  }
0x15e: {  	v44 =	vsel vm13, v62, v44;
	v62 =	vadd.s32 $0x100, v40;
	v47 =	vsel vm4, v60, v47  }
0x15f: {  	v61 =	vor.u32 $0x200, v41;
	v52 =	vadd.s32 v8, v47;
	vm5 =	vlt.f32 v53, v32;
	v54 =	vld.idx.msk [tilespmem:v54+s8+$0x0], $0xffff  }
0x160: {  	v56 =	vld.idx.msk [tilespmem:v63+s8+$0x0], $0xffff;
	v63 =	vmax.u32 v44, $0x10;
	vm6 =	vlt.f32 v58, v33;
	v41 =	vsel vm5, v61, v41  }
0x161: {  	v44 =	vadd.s32 v0, v44;
	v40 =	vsel vm6, v62, v40;
	v60 =	vadd.s32 v6, v41;
	v55 =	vld.idx.msk [tilespmem:v55+s8+$0x0], $0xffff  }
0x162: {  	vm7 =	vlt.f32 v48, v31;
	v61 =	vor.u32 $0x200, v43;
	v58 =	vadd.s32 v7, v40;
	v49 =	vld.idx.msk [tilespmem:v49+s8+$0x0], $0xffff  }
0x163: {  	vm15 =	vlt.f32 v29, v50;
	v53 =	vadd.s32 v10, v63;
	v43 =	vsel vm7, v61, v43  }
0x164: {  	v62 =	vor.u32 $0x200, v51;
	v48 =	vld.idx.msk [tilespmem:v52+s8+$0x0], $0xffff;
	v52 =	vadd.s32 v6, v43;
	vm8 =	vlt.f32 v54, v30  }
0x165: {  	v63 =	vadd.s32 $0x20, v45;
	vm9 =	vlt.f32 v56, v22;
	v51 =	vsel vm8, v62, v51  }
0x166: {  	v54 =	vld.idx.msk [tilespmem:v60+s8+$0x0], $0xffff;
	v57 =	vadd.s32 v6, v51;
	vm10 =	vlt.f32 v55, v27;
	v60 =	vor.u32 $0x200, v46  }
0x167: {  	v61 =	vadd.s32 $0x100, v42;
	v56 =	vld.idx.msk [tilespmem:v58+s8+$0x0], $0xffff;
	vm11 =	vlt.f32 v49, v34;
	v46 =	vsel vm10, v60, v46  }
0x168: {  	v45 =	vsel vm9, v63, v45;
	v55 =	vld.idx.msk [tilespmem:v38+s10+$0x0], $0xffff;
	v42 =	vsel vm11, v61, v42;
	v49 =	vadd.s32 v6, v46  }
0x169: {  	v63 =	vadd.s32 $0x100, v41;
	vm12 =	vlt.f32 v48, v28;
	v52 =	vld.idx.msk [tilespmem:v52+s8+$0x0], $0xffff;
	v48 =	vadd.s32 v7, v42  }
0x16a: {  	vm7 =	veq.f32 v29, v50;
	v59 =	vadd.s32 v0, v45;
	v62 =	vadd.s32 $0x40, v47;
	v58 =	vld.idx.msk [tilespmem:v13+s10+$0x0], $0xffff  }
0x16b: {  	v61 =	vadd.s32 $0x80, v40;
	v47 =	vsel vm12, v62, v47;
	vm13 =	vlt.f32 v54, v32;
	v54 =	vld.idx.msk [tilespmem:v57+s8+$0x0], $0xffff  }
0x16c: {  	v38 =	vld.idx.msk [tilespmem:v53+s8+$0x0], $0xffff;
	v60 =	vadd.s32 v9, v47;
	vm14 =	vlt.f32 v56, v33;
	v41 =	vsel vm13, v63, v41  }
0x16d: {  	v13 =	vsel vm0, v36, v35;
	v40 =	vsel vm14, v61, v40;
	v56 =	vadd.s32 v7, v41;
	v49 =	vld.idx.msk [tilespmem:v49+s8+$0x0], $0xffff  }
0x16e: {  	v62 =	vadd.s32 $0x100, v43;
	vm6 =	vlt.f32 v52, v31;
	v61 =	vadd.s32 v8, v40;
	v63 =	vld.idx.msk [tilespmem:v48+s8+$0x0], $0xffff  }
0x16f: {  	v36 =	vld.idx.msk [tilespmem:v59+s8+$0x0], $0xffff;
	vm8 =	vgt.f32 v58, v55;
	v58 =	vadd.s32 $0x100, v51;
	v35 =	vsel vm6, v62, v43  }
0x170: {  	v57 =	vld.idx.msk [tilespmem:v44+s8+$0x0], $0xffff;
	vm0 =	vmand vm7, vm8;
	v50 =	vadd.s32 v7, v35;
	vm9 =	vlt.f32 v54, v30  }
0x171: {  	v59 =	vadd.s32 $0x100, v46;
	vm0 =	vmor vm15, vm0;
	v48 =	vld.idx.msk [tilespmem:v60+s8+$0x0], $0xffff;
	v43 =	vsel vm9, v58, v51  }
0x172: {  	v62 =	vadd.s32 $0x80, v42;
	v51 =	vld.idx.msk [tilespmem:v56+s8+$0x0], $0xffff;
	v52 =	vadd.s32 v7, v43;
	vm10 =	vlt.f32 v49, v27  }
0x173: {  	v60 =	vsub.f32 v21, v38;
	v61 =	vld.idx.msk [tilespmem:v61+s8+$0x0], $0xffff;
	vm11 =	vlt.f32 v63, v34;
	v46 =	vsel vm10, v59, v46  }
0x174: {  	v29 =	vsel vm0, v39, v37;
	v39 =	vsel vm11, v62, v42;
	v63 =	vadd.s32 v7, v46  }
0x175: {  	vm12 =	vlt.f32 v36, v22;
	v37 =	vand.u32 $0x7FFFFFFF, v60;
	v42 =	vld.idx.msk [tilespmem:v50+s8+$0x0], $0xffff;
	v36 =	vadd.s32 v8, v39  }
0x176: {  	v53 =	vld.idx.msk [tilespmem:v53+s10+$0x0], $0xffff;
	v21 =	vsub.f32 v57, v21;
	v60 =	vadd.s32 $0x40, v40;
	v58 =	vadd.s32 $0x80, v41  }
0x177: {  	vm13 =	vlt.f32 v48, v28;
	v55 =	vadd.s32 $0x40, v39;
	vm14 =	vlt.f32 v51, v32;
	v59 =	vld.idx.msk [tilespmem:v52+s8+$0x0], $0xffff  }
0x178: {  	v44 =	vld.idx.msk [tilespmem:v44+s10+$0x0], $0xffff;
	vm15 =	vlt.f32 v61, v33;
	v61 =	vadd.s32 $0x20, v47;
	v41 =	vsel vm14, v58, v41  }
0x179: {  	v40 =	vsel vm15, v60, v40;
	v47 =	vsel vm13, v61, v47;
	v62 =	vadd.s32 v8, v41;
	v51 =	vld.idx.msk [tilespmem:v63+s8+$0x0], $0xffff  }
0x17a: {  	vm6 =	vlt.f32 v42, v31;
	v58 =	vadd.s32 $0x80, v35;
	v48 =	vadd.s32 v9, v40;
	v36 =	vld.idx.msk [tilespmem:v36+s8+$0x0], $0xffff  }
0x17b: {  	v63 =	vadd.s32 $0x10, v45;
	v54 =	vadd.s32 v0, v47;
	v35 =	vsel vm6, v58, v35  }
0x17c: {  	v45 =	vsel vm12, v63, v45;
	vm7 =	vlt.f32 v59, v30;
	v59 =	vadd.s32 $0x80, v43  }
0x17d: {  	v60 =	vadd.s32 v8, v35;
	v63 =	vadd.s32 $0x80, v46;
	v42 =	vsel vm7, v59, v43  }
0x17e: {  	vm12 =	vgt.f32 v44, v53;
	v61 =	vld.idx.msk [tilespmem:v62+s8+$0x0], $0xffff;
	v62 =	vadd.s32 v8, v42;
	vm8 =	vlt.f32 v51, v27  }
0x17f: {  	v44 =	vadd.s32 v0, v45;
	v48 =	vld.idx.msk [tilespmem:v48+s8+$0x0], $0xffff;
	vm9 =	vlt.f32 v36, v34;
	v46 =	vsel vm8, v63, v46  }
0x180: {  	v36 =	vsel vm9, v55, v39;
	v51 =	vadd.s32 v8, v46  }
0x181: {  	v21 =	vand.u32 $0x7FFFFFFF, v21;
	v56 =	vld.idx.msk [tilespmem:v54+s8+$0x0], $0xffff;
	v55 =	vadd.s32 v9, v36  }
0x182: {  	vm10 =	vlt.f32 v21, v37;
	vm11 =	veq.f32 v21, v37;
	v52 =	vmax.u32 v45, $0x10;
	v58 =	vld.idx.msk [tilespmem:v60+s8+$0x0], $0xffff  }
0x183: {  	v59 =	vadd.s32 $0x40, v41;
	v39 =	vadd.s32 v10, v52;
	vm13 =	vlt.f32 v61, v32;
	v60 =	vld.idx.msk [tilespmem:v62+s8+$0x0], $0xffff  }
0x184: {  	v45 =	vld.idx.msk [tilespmem:v44+s8+$0x0], $0xffff;
	vm14 =	vlt.f32 v48, v33;
	v61 =	vadd.s32 $0x20, v40;
	v41 =	vsel vm13, v59, v41  }
0x185: {  	vm1 =	vmand vm11, vm12;
	v40 =	vsel vm14, v61, v40;
	v62 =	vadd.s32 v9, v41;
	v63 =	vld.idx.msk [tilespmem:v51+s8+$0x0], $0xffff  }
0x186: {  	vm0 =	vmor vm10, vm1;
	v51 =	vadd.s32 v0, v40;
	v21 =	vld.idx.msk [tilespmem:v55+s8+$0x0], $0xffff  }
0x187: {  	v44 =	vld.idx.msk [tilespmem:v44+s10+$0x0], $0xffff;
	vm15 =	vlt.f32 v56, v28;
	vm4 =	vlt.f32 v58, v31;
	v58 =	vadd.s32 $0x40, v35  }
0x188: {  	v49 =	vld.idx.msk [tilespmem:v39+s8+$0x0], $0xffff;
	v59 =	vadd.s32 $0x40, v42;
	v35 =	vsel vm4, v58, v35;
	vm5 =	vlt.f32 v60, v30  }
0x189: {  	v56 =	vadd.s32 $0x10, v47;
	v39 =	vld.idx.msk [tilespmem:v39+s10+$0x0], $0xffff;
	v60 =	vadd.s32 v9, v35;
	v37 =	vsel vm5, v59, v42  }
0x18a: {  	v61 =	vld.idx.msk [tilespmem:v62+s8+$0x0], $0xffff;
	v62 =	vadd.s32 v9, v37;
	vm6 =	vlt.f32 v63, v27;
	v63 =	vadd.s32 $0x40, v46  }
0x18b: {  	v58 =	vadd.s32 $0x20, v36;
	v51 =	vld.idx.msk [tilespmem:v51+s8+$0x0], $0xffff;
	vm7 =	vlt.f32 v21, v34;
	v46 =	vsel vm6, v63, v46  }
0x18c: {  	v47 =	vsel vm15, v56, v47;
	v36 =	vsel vm7, v58, v36;
	v48 =	vadd.s32 v9, v46  }
0x18d: {  	v50 =	vmax.u32 v47, $0x10;
	v47 =	vadd.s32 v0, v47;
	v59 =	vadd.s32 v0, v36  }
0x18e: {  	v50 =	vadd.s32 v10, v50;
	v56 =	vsub.f32 v22, v49;
	v22 =	vsub.f32 v45, v22;
	v52 =	vld.idx.msk [tilespmem:v60+s8+$0x0], $0xffff  }
0x18f: {  	vm11 =	vgt.f32 v44, v39;
	v21 =	vsel vm0, v57, v38;
	v60 =	vadd.s32 $0x20, v41;
	v43 =	vld.idx.msk [tilespmem:v62+s8+$0x0], $0xffff  }
0x190: {  	vm8 =	vlt.f32 v61, v32;
	vm9 =	vlt.f32 v51, v33;
	v61 =	vadd.s32 $0x10, v40  }
0x191: {  	v57 =	vadd.s32 $0x20, v37;
	v41 =	vsel vm8, v60, v41;
	v40 =	vsel vm9, v61, v40;
	v48 =	vld.idx.msk [tilespmem:v48+s8+$0x0], $0xffff  }
0x192: {  	v38 =	vand.u32 $0x7FFFFFFF, v56;
	v42 =	vadd.s32 v0, v41;
	v62 =	vmax.u32 v40, $0x10;
	v63 =	vld.idx.msk [tilespmem:v59+s8+$0x0], $0xffff  }
0x193: {  	v39 =	vld.idx.msk [tilespmem:v47+s8+$0x0], $0xffff;
	v56 =	vadd.s32 $0x20, v35;
	v44 =	vadd.s32 v10, v62;
	vm12 =	vlt.f32 v52, v31  }
0x194: {  	v47 =	vld.idx.msk [tilespmem:v47+s10+$0x0], $0xffff;
	v22 =	vand.u32 $0x7FFFFFFF, v22;
	v35 =	vsel vm12, v56, v35;
	vm13 =	vlt.f32 v43, v30  }
0x195: {  	v54 =	vld.idx.msk [tilespmem:v50+s8+$0x0], $0xffff;
	vm10 =	veq.f32 v22, v38;
	v59 =	vadd.s32 v0, v35;
	v37 =	vsel vm13, v57, v37  }
0x196: {  	v50 =	vld.idx.msk [tilespmem:v50+s10+$0x0], $0xffff;
	v60 =	vadd.s32 $0x20, v46;
	v61 =	vadd.s32 $0x10, v36;
	v43 =	vadd.s32 v0, v37  }
0x197: {  	v40 =	vadd.s32 v0, v40;
	v42 =	vld.idx.msk [tilespmem:v42+s8+$0x0], $0xffff;
	vm14 =	vlt.f32 v48, v27;
	vm15 =	vlt.f32 v63, v34  }
0x198: {  	vm8 =	vlt.f32 v22, v38;
	v46 =	vsel vm14, v60, v46;
	v22 =	vld.idx.msk [tilespmem:v44+s8+$0x0], $0xffff;
	v36 =	vsel vm15, v61, v36  }
0x199: {  	v44 =	vld.idx.msk [tilespmem:v44+s10+$0x0], $0xffff;
	v62 =	vadd.s32 v0, v46;
	v48 =	vmax.u32 v36, $0x10  }
0x19a: {  	v56 =	vld.idx.msk [tilespmem:v59+s8+$0x0], $0xffff;
	v48 =	vadd.s32 v10, v48  }
0x19b: {  	v58 =	vsub.f32 v28, v54;
	v28 =	vsub.f32 v39, v28;
	vm9 =	vmand vm10, vm11;
	v43 =	vld.idx.msk [tilespmem:v43+s8+$0x0], $0xffff  }
0x19c: {  	v57 =	vadd.s32 $0x10, v41;
	v36 =	vadd.s32 v0, v36;
	vm10 =	vlt.f32 v42, v32;
	v42 =	vld.idx.msk [tilespmem:v40+s8+$0x0], $0xffff  }
0x19d: {  	v28 =	vand.u32 $0x7FFFFFFF, v28;
	vm13 =	vmor vm8, vm9;
	v40 =	vld.idx.msk [tilespmem:v40+s10+$0x0], $0xffff;
	v41 =	vsel vm10, v57, v41  }
0x19e: {  	v63 =	vand.u32 $0x7FFFFFFF, v58;
	v58 =	vmax.u32 v41, $0x10;
	v59 =	vld.idx.msk [tilespmem:v62+s8+$0x0], $0xffff;
	v41 =	vadd.s32 v0, v41  }
0x19f: {  	v45 =	vsel vm13, v45, v49;
	vm11 =	vlt.f32 v28, v63;
	vm12 =	veq.f32 v28, v63;
	v49 =	vld.idx.msk [tilespmem:v48+s8+$0x0], $0xffff  }
0x1a0: {  	[tilespmem:s14+$0xFFFFFF40] =	vst v12;
	v60 =	vadd.s32 $0x10, v35;
	v28 =	vadd.s32 v10, v58;
	vm15 =	vlt.f32 v56, v31;
	v12 =	vld.idx.msk [tilespmem:v48+s10+$0x0], $0xffff  }
0x1a1: {  	[tilespmem:s14+$0xFFFFFF50] =	vst v11;
	v35 =	vsel vm15, v60, v35;
	vm4 =	vlt.f32 v43, v30;
	v43 =	vld.idx.msk [tilespmem:v36+s8+$0x0], $0xffff  }
0x1a2: {  	[tilespmem:s14+$0xFFFFFF60] =	vst v15;
	vm14 =	vgt.f32 v47, v50;
	v63 =	vmax.u32 v35, $0x10;
	v36 =	vld.idx.msk [tilespmem:v36+s10+$0x0], $0xffff;
	v35 =	vadd.s32 v0, v35  }
0x1a3: {  	[tilespmem:s14+$0xFFFFFF70] =	vst v14;
	v61 =	vadd.s32 $0x10, v37;
	v52 =	vadd.s32 $0x10, v46;
	vm1 =	vmand vm12, vm14;
	v14 =	vld.idx.msk [tilespmem:v41+s8+$0x0], $0xffff  }
0x1a4: {  	v62 =	vsub.f32 v33, v22;
	v53 =	vadd.s32 v10, v63;
	vm5 =	vlt.f32 v59, v27;
	v59 =	vld.idx.msk [tilespmem:v41+s10+$0x0], $0xffff  }
0x1a5: {  	v33 =	vsub.f32 v42, v33;
	v37 =	vsel vm4, v61, v37;
	v11 =	vsel vm5, v52, v46;
	v46 =	vld.idx.msk [tilespmem:v28+s8+$0x0], $0xffff  }
0x1a6: {  	[tilespmem:s14+$0xFFFFFF90] =	vst v16;
	vm0 =	vmor vm11, vm1;
	v55 =	vand.u32 $0x7FFFFFFF, v62;
	v60 =	vadd.s32 v0, v37;
	v28 =	vld.idx.msk [tilespmem:v28+s10+$0x0], $0xffff  }
0x1a7: {  	[tilespmem:s14+$0xFFFFFFB0] =	vst v19;
	vm8 =	vgt.f32 v40, v44;
	v33 =	vand.u32 $0x7FFFFFFF, v33;
	v58 =	vmax.u32 v37, $0x10;
	v19 =	vld.idx.msk [tilespmem:v35+s8+$0x0], $0xffff  }
0x1a8: {  	vm6 =	vlt.f32 v33, v55;
	vm7 =	veq.f32 v33, v55;
	v33 =	vadd.s32 v10, v58;
	v35 =	vld.idx.msk [tilespmem:v35+s10+$0x0], $0xffff  }
0x1a9: {  	[tilespmem:s14+$0xFFFFFFA0] =	vst v18;
	v41 =	vsel vm0, v39, v54;
	v56 =	vsub.f32 v34, v49;
	vm1 =	vmand vm7, vm8;
	v18 =	vld.idx.msk [tilespmem:v53+s8+$0x0], $0xffff  }
0x1aa: {  	[tilespmem:s14+$0xFFFFFF80] =	vst v17;
	v61 =	vmax.u32 v11, $0x10;
	v11 =	vadd.s32 v0, v11;
	v57 =	vsub.f32 v43, v34;
	v62 =	vld.idx.msk [tilespmem:v53+s10+$0x0], $0xffff  }
0x1ab: {  	[tilespmem:s14+$0xFFFFFFC0] =	vst v20;
	v15 =	vand.u32 $0x7FFFFFFF, v56;
	vm1 =	vmor vm6, vm1;
	v63 =	vadd.s32 v10, v61;
	v47 =	vld.idx.msk [tilespmem:v60+s8+$0x0], $0xffff  }
0x1ac: {  	[tilespmem:s14+$0xFFFFFFD0] =	vst v23;
	vm11 =	vgt.f32 v36, v12;
	v22 =	vsel vm1, v42, v22;
	v17 =	vand.u32 $0x7FFFFFFF, v57;
	v55 =	vld.idx.msk [tilespmem:v60+s10+$0x0], $0xffff  }
0x1ad: {  	vm10 =	veq.f32 v17, v15;
	v40 =	vsub.f32 v32, v46;
	v32 =	vsub.f32 v14, v32;
	v42 =	vld.idx.msk [tilespmem:v33+s8+$0x0], $0xffff  }
0x1ae: {  	[tilespmem:s14+$0xFFFFFFE0] =	vst v24;
	vm9 =	vlt.f32 v17, v15;
	v33 =	vld.idx.msk [tilespmem:v33+s10+$0x0], $0xffff;
	vm14 =	vgt.f32 v59, v28;
	vm0 =	vmand vm10, vm11  }
0x1af: {  	[tilespmem:s14+$0xFFFFFFF0] =	vst v26;
	v54 =	vld.idx.msk [tilespmem:v11+s8+$0x0], $0xffff;
	v20 =	vand.u32 $0x7FFFFFFF, v40;
	v44 =	vand.u32 $0x7FFFFFFF, v32;
	vm0 =	vmor vm9, vm0  }
0x1b0: {  	v11 =	vld.idx.msk [tilespmem:v11+s10+$0x0], $0xffff;
	vm12 =	vlt.f32 v44, v20;
	v48 =	vsub.f32 v31, v18;
	v31 =	vsub.f32 v19, v31  }
0x1b1: {  	v50 =	vld.idx.msk [tilespmem:v63+s8+$0x0], $0xffff;
	vm13 =	veq.f32 v44, v20;
	v51 =	vsel vm0, v43, v49;
	vm8 =	vgt.f32 v35, v62  }
0x1b2: {  	[tilespmem:s14+$0x0] =	vst v25;
	v17 =	vld.idx.msk [tilespmem:v63+s10+$0x0], $0xffff;
	vm15 =	vmand vm13, vm14;
	v57 =	vsub.f32 v47, v30;
	v52 =	vand.u32 $0x7FFFFFFF, v48  }
0x1b3: {  	[tilespmem:s14+$0x10] =	vst v13;
	v53 =	vand.u32 $0x7FFFFFFF, v31;
	vm0 =	vmor vm12, vm15;
	v56 =	vsub.f32 v30, v42  }
0x1b4: {  	[tilespmem:s14+$0x20] =	vst v29;
	vm12 =	vgt.f32 v55, v33;
	vm6 =	vlt.f32 v53, v52;
	vm7 =	veq.f32 v53, v52  }
0x1b5: {  	[tilespmem:s14+$0x30] =	vst v21;
	v14 =	vsel vm0, v14, v46;
	v58 =	vand.u32 $0x7FFFFFFF, v57;
	v60 =	vsub.f32 v54, v27  }
0x1b6: {  	[tilespmem:s14+$0x40] =	vst v45;
	vm9 =	vmand vm7, vm8;
	v13 =	vand.u32 $0x7FFFFFFF, v56;
	v59 =	vsub.f32 v27, v50  }
0x1b7: {  	s13 =	sadd.s32 $0x18, s13;
	[tilespmem:s14+$0x50] =	vst v41;
	vm13 =	vgt.f32 v11, v17;
	vm10 =	vlt.f32 v58, v13;
	vm11 =	veq.f32 v58, v13  }
0x1b8: {  	p0 =	slt.u32 s13, $0xC0;
	[tilespmem:s14+$0x60] =	vst v22;
	vm0 =	vmor vm6, vm9;
	v63 =	vand.u32 $0x7FFFFFFF, v60;
	v62 =	vand.u32 $0x7FFFFFFF, v59  }
.Ltmp0:
0x1b9: {  	[tilespmem:s14+$0x70] =	vst v51;
	v61 =	vsel vm0, v19, v18;
	vm2 =	vmand vm11, vm12;
	vm14 =	veq.f32 v63, v62;
	(pc) =	sbr.rel @p0 .LBB2_2-.Ltmp0, $4  }
0x1ba: {  	[tilespmem:s14+$0x80] =	vst v14;
	vm1 =	vmor vm10, vm2;
	vm15 =	vlt.f32 v63, v62;
	vm0 =	vmand vm14, vm13  }
0x1bb: {  	[tilespmem:s14+$0x90] =	vst v61;
	v11 =	vsel vm1, v47, v42;
	vm0 =	vmor vm15, vm0  }
0x1bc: {  	[tilespmem:s14+$0xA0] =	vst v11;
	v11 =	vsel vm0, v54, v50  }
0x1bd: {  	s15 =	sadd.s32 $0x180, s15;
	[tilespmem:s14+$0xB0] =	vst v11;
	s14 =	sadd.s32 $0x180, s14  }
0x1be: {  	s12 =	sadd.s32 $0x1, s12  }
0x1bf: {  	p0 =	sne.s32 s12, s7  }
.Ltmp1:
0x1c0: {  	_ = 	snop;
	(pc) =	sbr.rel @p0 .LBB2_1-.Ltmp1, $4  }
0x1c1: {  	[hbm4b:s6+s2] =	stream.linear.scatter [tilespmem:s11], [sflag:$0x1], $0xD80, $0x38;
	[tilespmem:$0x5B00] =	vst v63  }
0x1c2: {  	_ =	swait.ge [sflag:s9], $0xD80  }
0x1c3: {  	[sflag:s9] =	ssyncset.done $0x0  }
0x1c4: {  	[sflag:s9] =	ssyncadd.s32 $0xFFFFF280  }
0x1c5: {  	_ =	sfence.sel $0x180000  }
0x1c6: {  	[bflag:$0x0] =	sbarrier.arrive $0xFFFF  }
0x1c7: {  	p0 =	sne.s32 s0, $0x0;
	_ =	strace $0x90000047  }
0x1c8: {  	s0 =	sadd.s32 @!p0 $0x100000, s1;
	[bflag:$0x2] =	sbarrier.arrive $0xFFFF  }
0x1c9: {  	[sflag:s0] =	ssyncadd.tile.s32 @!p0 $0x1;
	_ =	shalt  }
.Lfunc_end2:
_tile_overlayer_lowered:
.L_overlay_start_2:
0x1ca: {  	(tag) =	ssettag $0x2  }
0x1cb: {  	s0 =	rddreg [dreg:$0x0];
	s2 =	stileid.u32  }
0x1cc: {  	s1 =	rddreg [dreg:$0x1];
	p0 =	sne.s32 s2, $0x0  }
0x1cd: {  	s3 =	rddreg [dreg:$0x2];
	[bflag:$0x3] =	sbarrier.arrive $0xFFFF;
	s2 =	simm.s32 @!p0 $0x1C01  }
0x1ce: {  	[timem:s3], [sflag:s2] =	dma.local @!p0 [hbm:s0], s1  }
0x1cf: {  	s0 =	simm.s32 @!p0 $0x1  }
0x1d0: {  	_ =	swait.ge @!p0 [sflag:s0], s1  }
0x1d1: {  	s1 =	ssub.s32 @!p0 $0x0, s1;
	[sflag:s0] =	ssyncset.done @!p0 $0x0  }
0x1d2: {  	[sflag:s0] =	ssyncadd.s32 @!p0 s1  }
0x1d3: {  	[bflag:$0x3] =	sbarrier.arrive $0xFFFF  }
0x1d4: {  	_ =	shalt  }

</sc_bundles>
